<compile_context>
chip_gen: v7x
topology: tpu7x:2x2x1
jax: 0.10.2.dev20260603
libtpu: 0.0.44.dev20260713+nightly
codegen_flags: <defaults>
</compile_context>

<pallas_src>
import functools

import jax
import jax.numpy as jnp
from jax import lax
from jax.experimental import pallas as pl
from jax.experimental.pallas import tpu as pltpu
from jax.experimental.pallas import tpu_sc as plsc

N = 10000
E = 160000
C = 256
HALF = 128
NSUB = 16
NCORE = 2
CHUNK = 104
EP = 10192
NPAD = 10240
ROWS_PER_SUB = NPAD // NSUB
NCHUNK = EP // CHUNK
NGROUP = NCHUNK // 2


def _sc_agg_body(tab_hbm, src_hbm, dst_hbm, out_hbm, src_v, dst_v,
                 rows0, rows1, acc, gs0, gs1, ss0, ss1):
    c = lax.axis_index("c")
    s = lax.axis_index("s")
    rows = [rows0, rows1]
    gsem = [gs0, gs1]
    ssem = [ss0, ss1]

    pltpu.sync_copy(tab_hbm.at[pl.ds(c * NPAD + s * ROWS_PER_SUB, ROWS_PER_SUB)],
                    acc.at[pl.ds(s * ROWS_PER_SUB, ROWS_PER_SUB)])
    pltpu.sync_copy(src_hbm.at[c, s], src_v)
    pltpu.sync_copy(dst_hbm.at[s], dst_v)
    plsc.subcore_barrier()

    def g_start(j, b):
        pltpu.async_copy(tab_hbm.at[src_v.at[pl.ds(j * CHUNK, CHUNK)]], rows[b], gsem[b])

    def g_wait(j, b):
        pltpu.make_async_copy(tab_hbm.at[src_v.at[pl.ds(j * CHUNK, CHUNK)]], rows[b], gsem[b]).wait()

    def s_start(j, b):
        pltpu.async_copy(rows[b], acc.at[dst_v.at[pl.ds(j * CHUNK, CHUNK)]], ssem[b], add=True)

    def s_wait(j, b):
        pltpu.make_async_copy(rows[b], acc.at[dst_v.at[pl.ds(j * CHUNK, CHUNK)]], ssem[b]).wait()

    g_start(0, 0)

    g_wait(0, 0)
    s_start(0, 0)
    g_start(1, 1)
    g_wait(1, 1)
    s_start(1, 1)
    s_wait(0, 0)
    g_start(2, 0)

    def pair_body(t, carry):
        j = 2 * t
        g_wait(j, 0)
        s_start(j, 0)
        s_wait(j - 1, 1)
        g_start(j + 1, 1)
        g_wait(j + 1, 1)
        s_start(j + 1, 1)
        s_wait(j, 0)
        g_start(j + 2, 0)
        return carry

    lax.fori_loop(1, NGROUP - 1, pair_body, 0)

    j = NCHUNK - 2
    g_wait(j, 0)
    s_start(j, 0)
    s_wait(j - 1, 1)
    g_start(j + 1, 1)
    g_wait(j + 1, 1)
    s_start(j + 1, 1)
    s_wait(j, 0)
    s_wait(j + 1, 1)

    plsc.subcore_barrier()
    pltpu.sync_copy(acc.at[pl.ds(s * ROWS_PER_SUB, ROWS_PER_SUB)],
                    out_hbm.at[c, pl.ds(s * ROWS_PER_SUB, ROWS_PER_SUB)])


_sc_agg = functools.partial(
    pl.kernel,
    out_type=jax.ShapeDtypeStruct((NCORE, NPAD, HALF), jnp.float32),
    mesh=plsc.VectorSubcoreMesh(core_axis_name="c", subcore_axis_name="s"),
    scratch_types=[
        pltpu.VMEM((EP,), jnp.int32),
        pltpu.VMEM((EP,), jnp.int32),
        pltpu.VMEM((CHUNK, HALF), jnp.float32),
        pltpu.VMEM((CHUNK, HALF), jnp.float32),
        pltpu.VMEM_SHARED((NPAD, HALF), jnp.float32),
        pltpu.SemaphoreType.DMA,
        pltpu.SemaphoreType.DMA,
        pltpu.SemaphoreType.DMA,
        pltpu.SemaphoreType.DMA,
    ],
)(_sc_agg_body)


def _bn_cols(y, g, b):
    m = jnp.mean(y, axis=0, keepdims=True)
    v = jnp.mean((y - m) * (y - m), axis=0, keepdims=True)
    return (y - m) * lax.rsqrt(v + 1e-5) * g + b


def _mlp_from_split(z_ref, w1_ref, b1_ref, w2_ref, b2_ref, g1_ref, be1_ref,
                    g2_ref, be2_ref):
    z = jnp.concatenate([z_ref[0, :N, :], z_ref[1, :N, :]], axis=1)
    t = jnp.maximum(jnp.dot(z, w1_ref[...],
                            preferred_element_type=jnp.float32) + b1_ref[...], 0.0)
    y = jnp.dot(t, w2_ref[...], preferred_element_type=jnp.float32) + b2_ref[...]
    y = _bn_cols(y, g1_ref[...], be1_ref[...])
    y = _bn_cols(y, g2_ref[...], be2_ref[...])
    return jnp.maximum(y, 0.0)


def _tc_layer_body(z_ref, w1_ref, b1_ref, w2_ref, b2_ref, g1_ref, be1_ref,
                   g2_ref, be2_ref, out_ref):
    h = _mlp_from_split(z_ref, w1_ref, b1_ref, w2_ref, b2_ref, g1_ref, be1_ref,
                        g2_ref, be2_ref)
    out_ref[0, :N, :] = h[:, :HALF]
    out_ref[1, :N, :] = h[:, HALF:]
    out_ref[0, N:, :] = jnp.zeros((NPAD - N, HALF), jnp.float32)
    out_ref[1, N:, :] = jnp.zeros((NPAD - N, HALF), jnp.float32)


def _tc_final_body(z_ref, w1_ref, b1_ref, w2_ref, b2_ref, g1_ref, be1_ref,
                   g2_ref, be2_ref, lw_ref, lb_ref, out_ref):
    h = _mlp_from_split(z_ref, w1_ref, b1_ref, w2_ref, b2_ref, g1_ref, be1_ref,
                        g2_ref, be2_ref)
    logits = jnp.dot(h, lw_ref[...], preferred_element_type=jnp.float32) + lb_ref[...]
    m = jnp.max(logits, axis=1, keepdims=True)
    sh = logits - m
    lse = jnp.log(jnp.sum(jnp.exp(sh), axis=1, keepdims=True))
    out_ref[...] = sh - lse


_tc_layer = pl.pallas_call(
    _tc_layer_body,
    out_shape=jax.ShapeDtypeStruct((NCORE, NPAD, HALF), jnp.float32),
)

_tc_final = pl.pallas_call(
    _tc_final_body,
    out_shape=jax.ShapeDtypeStruct((N, C), jnp.float32),
)


def _layer_args(p):
    return (p["W1"], p["b1"].reshape(1, C), p["W2"], p["b2"].reshape(1, C),
            p["bn_mlp_g"].reshape(1, C), p["bn_mlp_b"].reshape(1, C),
            p["bn_out_g"].reshape(1, C), p["bn_out_b"].reshape(1, C))


def kernel(x, edge_index, params):
    src = edge_index[0]
    dst = edge_index[1]
    pad = NSUB * EP - E
    srcp = jnp.concatenate([src, jnp.full((pad,), N, jnp.int32)])
    dstp = jnp.concatenate([dst, jnp.zeros((pad,), jnp.int32)])
    src2 = jnp.stack([srcp, srcp + NPAD]).reshape(NCORE, NSUB, EP)
    dst2 = dstp.reshape(NSUB, EP)

    tab = jnp.zeros((NCORE, NPAD, HALF), jnp.float32)
    tab = tab.at[:, :N, :].set(jnp.stack([x[:, :HALF], x[:, HALF:]]))

    z = _sc_agg(tab.reshape(NCORE * NPAD, HALF), src2, dst2)
    h = _tc_layer(z, *_layer_args(params["conv0"]))
    z = _sc_agg(h.reshape(NCORE * NPAD, HALF), src2, dst2)
    h = _tc_layer(z, *_layer_args(params["conv1"]))
    z = _sc_agg(h.reshape(NCORE * NPAD, HALF), src2, dst2)
    return _tc_final(z, *_layer_args(params["conv2"]),
                     params["lin_W"], params["lin_b"].reshape(1, C))

# --- scband reference (transcript-rebuilt; emitter-appended) ---
"""Pipeline reference for scband-gin-22479858827267 (READ-ONLY COPY).

The authoritative reference and input builder live on the scoring server;
editing this copy changes nothing except your own understanding.
"""

import jax, jax.numpy as jnp
import numpy as np

N = 10000
E = 160000
IN_C = 256
HID = 256
OUT_C = 256
NUM_LAYERS = 3
EPS = 0.0


def _bn(z, g, b):
    # BatchNorm1d in training mode: normalize with batch statistics
    mean = jnp.mean(z, axis=0, keepdims=True)
    var = jnp.var(z, axis=0, keepdims=True)
    return (z - mean) / jnp.sqrt(var + 1e-5) * g + b


def _make_params(key):
    params = {}
    dims = [(IN_C, HID), (HID, HID), (HID, HID)]
    for i, (din, _) in enumerate(dims):
        k1, k2, key = jax.random.split(key, 3)
        params["conv%d" % i] = {
            "W1": jax.random.normal(k1, (din, HID), jnp.float32) * (1.0 / np.sqrt(din)),
            "b1": jnp.zeros((HID,), jnp.float32),
            "W2": jax.random.normal(k2, (HID, HID), jnp.float32) * (1.0 / np.sqrt(HID)),
            "b2": jnp.zeros((HID,), jnp.float32),
            "bn_mlp_g": jnp.ones((HID,), jnp.float32),
            "bn_mlp_b": jnp.zeros((HID,), jnp.float32),
            "bn_out_g": jnp.ones((HID,), jnp.float32),
            "bn_out_b": jnp.zeros((HID,), jnp.float32),
        }
    k1, key = jax.random.split(key)
    params["lin_W"] = jax.random.normal(k1, (HID, OUT_C), jnp.float32) * (1.0 / np.sqrt(HID))
    params["lin_b"] = jnp.zeros((OUT_C,), jnp.float32)
    return params


def setup_inputs(seed: int = 0) -> dict:
    key = jax.random.key(seed)
    k1, k2, k3 = jax.random.split(key, 3)
    x = jax.random.normal(k1, (N, IN_C), jnp.float32)
    edge_index = jax.random.randint(k2, (2, E), 0, N, dtype=jnp.int32)
    params = _make_params(k3)
    return {"x": x, "edge_index": edge_index, "params": params}


def _gin_forward(x, edge_index, params):
    src = edge_index[0]
    dst = edge_index[1]
    h = x
    for i in range(NUM_LAYERS):
        p = params["conv%d" % i]
        # GINConv: sum-aggregate neighbor messages (gather + scatter-add)
        msgs = jnp.take(h, src, axis=0)
        agg = jax.ops.segment_sum(msgs, dst, num_segments=N)
        z = (1.0 + EPS) * h + agg
        # inner MLP: Linear -> ReLU -> Linear -> BN
        z = z @ p["W1"] + p["b1"]
        z = jax.nn.relu(z)
        z = z @ p["W2"] + p["b2"]
        z = _bn(z, p["bn_mlp_g"], p["bn_mlp_b"])
        # outer BN + ReLU (dropout is identity for deterministic reference)
        z = _bn(z, p["bn_out_g"], p["bn_out_b"])
        h = jax.nn.relu(z)
    logits = h @ params["lin_W"] + params["lin_b"]
    return jax.nn.log_softmax(logits, axis=1)


def reference(x, edge_index, params):
    return _gin_forward(x, edge_index, params)

if __name__ == "__main__":
    import jax
    _d = setup_inputs()
    print(jax.jit(kernel)(*tuple(_d.values())))

</pallas_src>

<mosaic_0001>
#map = affine_map<(d0, d1) -> (0, 0)>
#map1 = affine_map<(d0, d1) -> (0, 0, 0)>
module attributes {stable_mosaic.version = 14 : i64} {
  func.func @_sc_agg_body(%arg0: i32, %arg1: i32, %arg2: memref<20480x128xf32, #tpu.memory_space<hbm>>, %arg3: memref<2x16x10192xi32, #tpu.memory_space<hbm>>, %arg4: memref<16x10192xi32, #tpu.memory_space<hbm>>, %arg5: memref<2x10240x128xf32, #tpu.memory_space<hbm>>, %arg6: memref<10192xi32, #tpu.memory_space<vmem>>, %arg7: memref<10192xi32, #tpu.memory_space<vmem>>, %arg8: memref<104x128xf32, #tpu.memory_space<vmem>>, %arg9: memref<104x128xf32, #tpu.memory_space<vmem>>, %arg10: memref<10240x128xf32, #tpu.memory_space<vmem_shared>>, %arg11: memref<!tpu.dma_semaphore, #tpu.memory_space<semaphore_mem>>, %arg12: memref<!tpu.dma_semaphore, #tpu.memory_space<semaphore_mem>>, %arg13: memref<!tpu.dma_semaphore, #tpu.memory_space<semaphore_mem>>, %arg14: memref<!tpu.dma_semaphore, #tpu.memory_space<semaphore_mem>>) attributes {dimension_semantics = [#tpu.dimension_semantics<core_parallel>, #tpu.dimension_semantics<subcore_parallel>], iteration_bounds = array<i64: 2, 16>, scalar_prefetch = 0 : i64, scratch_operands = 9 : i64, tpu.core_type = #tpu.core_type<sc_vector_subcore>, window_params = [{transform_indices = #map}, {transform_indices = #map1}, {transform_indices = #map}, {transform_indices = #map1}]} {
    %mul3A = arith.constant 10240 : i32
    %mul3A_0 = arith.muli %arg0, %mul3A : i32
    %mul3A_1 = arith.constant 640 : i32
    %mul3A_2 = arith.muli %arg1, %mul3A_1 : i32
    %add3A = arith.addi %mul3A_0, %mul3A_2 : i32
    %mul3A_3 = arith.constant 640 : i32
    %mul3A_4 = arith.muli %arg1, %mul3A_3 : i32
    "tpu.region"() ({
      %run_scoped3A = tpu.sem_alloc : memref<!tpu.dma_semaphore, #tpu.memory_space<semaphore_mem>>
      %dma_start3A_93 = arith.constant 0 : i32
      %dma_start3A_94 = tpu.memref_slice %arg10[%mul3A_4, %dma_start3A_93] : memref<10240x128xf32, #tpu.memory_space<vmem_shared>> -> memref<640x128xf32, #tpu.memory_space<vmem_shared>>
      %dma_start3A_95 = arith.constant 0 : i32
      %dma_start3A_96 = tpu.memref_slice %arg2[%add3A, %dma_start3A_95] : memref<20480x128xf32, #tpu.memory_space<hbm>> -> memref<640x128xf32, #tpu.memory_space<hbm>>
      tpu.enqueue_dma source(%dma_start3A_96 : memref<640x128xf32, #tpu.memory_space<hbm>>) target(%dma_start3A_94 : memref<640x128xf32, #tpu.memory_space<vmem_shared>>) target_semaphore(%run_scoped3A : memref<!tpu.dma_semaphore, #tpu.memory_space<semaphore_mem>>)
      %dma_wait3A_97 = arith.constant 0 : i32
      %dma_wait3A_98 = tpu.memref_slice %arg10[%mul3A_4, %dma_wait3A_97] : memref<10240x128xf32, #tpu.memory_space<vmem_shared>> -> memref<640x128xf32, #tpu.memory_space<vmem_shared>>
      %dma_wait3A_99 = arith.constant 0 : i32
      %dma_wait3A_100 = tpu.memref_slice %arg2[%add3A, %dma_wait3A_99] : memref<20480x128xf32, #tpu.memory_space<hbm>> -> memref<640x128xf32, #tpu.memory_space<hbm>>
      tpu.wait_dma2 semaphore(%run_scoped3A : memref<!tpu.dma_semaphore, #tpu.memory_space<semaphore_mem>>) src(%dma_wait3A_100 : memref<640x128xf32, #tpu.memory_space<hbm>>) dst(%dma_wait3A_98 : memref<640x128xf32, #tpu.memory_space<vmem_shared>>)
      tpu.yield
    }) : () -> ()
    "tpu.region"() ({
      %run_scoped3A = tpu.sem_alloc : memref<!tpu.dma_semaphore, #tpu.memory_space<semaphore_mem>>
      %dma_start3A_93 = arith.constant 0 : i32
      %dma_start3A_94 = tpu.memref_slice %arg3[%arg0, %arg1, %dma_start3A_93] : memref<2x16x10192xi32, #tpu.memory_space<hbm>> -> memref<1x1x10192xi32, #tpu.memory_space<hbm>>
      %dma_start3A_95 = tpu.memref_squeeze %dma_start3A_94 : memref<1x1x10192xi32, #tpu.memory_space<hbm>> -> memref<10192xi32, #tpu.memory_space<hbm>>
      %dma_start3A_96 = arith.constant 0 : i32
      %dma_start3A_97 = tpu.memref_slice %arg3[%arg0, %arg1, %dma_start3A_96] : memref<2x16x10192xi32, #tpu.memory_space<hbm>> -> memref<1x1x10192xi32, #tpu.memory_space<hbm>>
      %dma_start3A_98 = tpu.memref_squeeze %dma_start3A_97 : memref<1x1x10192xi32, #tpu.memory_space<hbm>> -> memref<10192xi32, #tpu.memory_space<hbm>>
      tpu.enqueue_dma source(%dma_start3A_98 : memref<10192xi32, #tpu.memory_space<hbm>>) target(%arg6 : memref<10192xi32, #tpu.memory_space<vmem>>) target_semaphore(%run_scoped3A : memref<!tpu.dma_semaphore, #tpu.memory_space<semaphore_mem>>)
      %dma_wait3A_99 = arith.constant 0 : i32
      %dma_wait3A_100 = tpu.memref_slice %arg3[%arg0, %arg1, %dma_wait3A_99] : memref<2x16x10192xi32, #tpu.memory_space<hbm>> -> memref<1x1x10192xi32, #tpu.memory_space<hbm>>
      %dma_wait3A_101 = tpu.memref_squeeze %dma_wait3A_100 : memref<1x1x10192xi32, #tpu.memory_space<hbm>> -> memref<10192xi32, #tpu.memory_space<hbm>>
      %dma_wait3A_102 = arith.constant 0 : i32
      %dma_wait3A_103 = tpu.memref_slice %arg3[%arg0, %arg1, %dma_wait3A_102] : memref<2x16x10192xi32, #tpu.memory_space<hbm>> -> memref<1x1x10192xi32, #tpu.memory_space<hbm>>
      %dma_wait3A_104 = tpu.memref_squeeze %dma_wait3A_103 : memref<1x1x10192xi32, #tpu.memory_space<hbm>> -> memref<10192xi32, #tpu.memory_space<hbm>>
      tpu.wait_dma2 semaphore(%run_scoped3A : memref<!tpu.dma_semaphore, #tpu.memory_space<semaphore_mem>>) src(%dma_wait3A_104 : memref<10192xi32, #tpu.memory_space<hbm>>) dst(%arg6 : memref<10192xi32, #tpu.memory_space<vmem>>)
      tpu.yield
    }) : () -> ()
    "tpu.region"() ({
      %run_scoped3A = tpu.sem_alloc : memref<!tpu.dma_semaphore, #tpu.memory_space<semaphore_mem>>
      %dma_start3A_93 = arith.constant 0 : i32
      %dma_start3A_94 = tpu.memref_slice %arg4[%arg1, %dma_start3A_93] : memref<16x10192xi32, #tpu.memory_space<hbm>> -> memref<1x10192xi32, #tpu.memory_space<hbm>>
      %dma_start3A_95 = tpu.memref_squeeze %dma_start3A_94 : memref<1x10192xi32, #tpu.memory_space<hbm>> -> memref<10192xi32, #tpu.memory_space<hbm>>
      %dma_start3A_96 = arith.constant 0 : i32
      %dma_start3A_97 = tpu.memref_slice %arg4[%arg1, %dma_start3A_96] : memref<16x10192xi32, #tpu.memory_space<hbm>> -> memref<1x10192xi32, #tpu.memory_space<hbm>>
      %dma_start3A_98 = tpu.memref_squeeze %dma_start3A_97 : memref<1x10192xi32, #tpu.memory_space<hbm>> -> memref<10192xi32, #tpu.memory_space<hbm>>
      tpu.enqueue_dma source(%dma_start3A_98 : memref<10192xi32, #tpu.memory_space<hbm>>) target(%arg7 : memref<10192xi32, #tpu.memory_space<vmem>>) target_semaphore(%run_scoped3A : memref<!tpu.dma_semaphore, #tpu.memory_space<semaphore_mem>>)
      %dma_wait3A_99 = arith.constant 0 : i32
      %dma_wait3A_100 = tpu.memref_slice %arg4[%arg1, %dma_wait3A_99] : memref<16x10192xi32, #tpu.memory_space<hbm>> -> memref<1x10192xi32, #tpu.memory_space<hbm>>
      %dma_wait3A_101 = tpu.memref_squeeze %dma_wait3A_100 : memref<1x10192xi32, #tpu.memory_space<hbm>> -> memref<10192xi32, #tpu.memory_space<hbm>>
      %dma_wait3A_102 = arith.constant 0 : i32
      %dma_wait3A_103 = tpu.memref_slice %arg4[%arg1, %dma_wait3A_102] : memref<16x10192xi32, #tpu.memory_space<hbm>> -> memref<1x10192xi32, #tpu.memory_space<hbm>>
      %dma_wait3A_104 = tpu.memref_squeeze %dma_wait3A_103 : memref<1x10192xi32, #tpu.memory_space<hbm>> -> memref<10192xi32, #tpu.memory_space<hbm>>
      tpu.wait_dma2 semaphore(%run_scoped3A : memref<!tpu.dma_semaphore, #tpu.memory_space<semaphore_mem>>) src(%dma_wait3A_104 : memref<10192xi32, #tpu.memory_space<hbm>>) dst(%arg7 : memref<10192xi32, #tpu.memory_space<vmem>>)
      tpu.yield
    }) : () -> ()
    %barrier3A = arith.constant 0 : index
    tpu.barrier barrier_id(%barrier3A)
    %dma_start3A = arith.constant 0 : i32
    %dma_start3A_5 = tpu.memref_slice %arg6[%dma_start3A] : memref<10192xi32, #tpu.memory_space<vmem>> -> memref<104xi32, #tpu.memory_space<vmem>>
    %dma_start3A_6 = arith.constant 0 : i32
    %dma_start3A_7 = arith.constant 0 : i32
    %dma_start3A_8 = tpu.memref_slice %arg2[%dma_start3A_6, %dma_start3A_7] : memref<20480x128xf32, #tpu.memory_space<hbm>> -> memref<20480x128xf32, #tpu.memory_space<hbm>>
    tpu.enqueue_indirect_dma source(%dma_start3A_8 : memref<20480x128xf32, #tpu.memory_space<hbm>>) target(%arg8 : memref<104x128xf32, #tpu.memory_space<vmem>>) offsets(%dma_start3A_5 : memref<104xi32, #tpu.memory_space<vmem>>) semaphore(%arg11 : memref<!tpu.dma_semaphore, #tpu.memory_space<semaphore_mem>>)
    %dma_wait3A = arith.constant 0 : i32
    %dma_wait3A_9 = tpu.memref_slice %arg6[%dma_wait3A] : memref<10192xi32, #tpu.memory_space<vmem>> -> memref<104xi32, #tpu.memory_space<vmem>>
    %dma_wait3A_10 = arith.constant 0 : i32
    %dma_wait3A_11 = arith.constant 0 : i32
    %dma_wait3A_12 = tpu.memref_slice %arg2[%dma_wait3A_10, %dma_wait3A_11] : memref<20480x128xf32, #tpu.memory_space<hbm>> -> memref<20480x128xf32, #tpu.memory_space<hbm>>
    tpu.wait_indirect_dma semaphore(%arg11 : memref<!tpu.dma_semaphore, #tpu.memory_space<semaphore_mem>>) src(%dma_wait3A_12 : memref<20480x128xf32, #tpu.memory_space<hbm>>) dst(%arg8 : memref<104x128xf32, #tpu.memory_space<vmem>>)
    %dma_start3A_13 = arith.constant 0 : i32
    %dma_start3A_14 = tpu.memref_slice %arg7[%dma_start3A_13] : memref<10192xi32, #tpu.memory_space<vmem>> -> memref<104xi32, #tpu.memory_space<vmem>>
    %dma_start3A_15 = arith.constant 0 : i32
    %dma_start3A_16 = arith.constant 0 : i32
    %dma_start3A_17 = tpu.memref_slice %arg10[%dma_start3A_15, %dma_start3A_16] : memref<10240x128xf32, #tpu.memory_space<vmem_shared>> -> memref<10240x128xf32, #tpu.memory_space<vmem_shared>>
    tpu.enqueue_indirect_dma source(%arg8 : memref<104x128xf32, #tpu.memory_space<vmem>>) target(%dma_start3A_17 : memref<10240x128xf32, #tpu.memory_space<vmem_shared>>) offsets(%dma_start3A_14 : memref<104xi32, #tpu.memory_space<vmem>>) semaphore(%arg13 : memref<!tpu.dma_semaphore, #tpu.memory_space<semaphore_mem>>) {add = true}
    %dma_start3A_18 = arith.constant 104 : i32
    %dma_start3A_19 = tpu.memref_slice %arg6[%dma_start3A_18] : memref<10192xi32, #tpu.memory_space<vmem>> -> memref<104xi32, #tpu.memory_space<vmem>>
    %dma_start3A_20 = arith.constant 0 : i32
    %dma_start3A_21 = arith.constant 0 : i32
    %dma_start3A_22 = tpu.memref_slice %arg2[%dma_start3A_20, %dma_start3A_21] : memref<20480x128xf32, #tpu.memory_space<hbm>> -> memref<20480x128xf32, #tpu.memory_space<hbm>>
    tpu.enqueue_indirect_dma source(%dma_start3A_22 : memref<20480x128xf32, #tpu.memory_space<hbm>>) target(%arg9 : memref<104x128xf32, #tpu.memory_space<vmem>>) offsets(%dma_start3A_19 : memref<104xi32, #tpu.memory_space<vmem>>) semaphore(%arg12 : memref<!tpu.dma_semaphore, #tpu.memory_space<semaphore_mem>>)
    %dma_wait3A_23 = arith.constant 104 : i32
    %dma_wait3A_24 = tpu.memref_slice %arg6[%dma_wait3A_23] : memref<10192xi32, #tpu.memory_space<vmem>> -> memref<104xi32, #tpu.memory_space<vmem>>
    %dma_wait3A_25 = arith.constant 0 : i32
    %dma_wait3A_26 = arith.constant 0 : i32
    %dma_wait3A_27 = tpu.memref_slice %arg2[%dma_wait3A_25, %dma_wait3A_26] : memref<20480x128xf32, #tpu.memory_space<hbm>> -> memref<20480x128xf32, #tpu.memory_space<hbm>>
    tpu.wait_indirect_dma semaphore(%arg12 : memref<!tpu.dma_semaphore, #tpu.memory_space<semaphore_mem>>) src(%dma_wait3A_27 : memref<20480x128xf32, #tpu.memory_space<hbm>>) dst(%arg9 : memref<104x128xf32, #tpu.memory_space<vmem>>)
    %dma_start3A_28 = arith.constant 104 : i32
    %dma_start3A_29 = tpu.memref_slice %arg7[%dma_start3A_28] : memref<10192xi32, #tpu.memory_space<vmem>> -> memref<104xi32, #tpu.memory_space<vmem>>
    %dma_start3A_30 = arith.constant 0 : i32
    %dma_start3A_31 = arith.constant 0 : i32
    %dma_start3A_32 = tpu.memref_slice %arg10[%dma_start3A_30, %dma_start3A_31] : memref<10240x128xf32, #tpu.memory_space<vmem_shared>> -> memref<10240x128xf32, #tpu.memory_space<vmem_shared>>
    tpu.enqueue_indirect_dma source(%arg9 : memref<104x128xf32, #tpu.memory_space<vmem>>) target(%dma_start3A_32 : memref<10240x128xf32, #tpu.memory_space<vmem_shared>>) offsets(%dma_start3A_29 : memref<104xi32, #tpu.memory_space<vmem>>) semaphore(%arg14 : memref<!tpu.dma_semaphore, #tpu.memory_space<semaphore_mem>>) {add = true}
    %dma_wait3A_33 = arith.constant 0 : i32
    %dma_wait3A_34 = tpu.memref_slice %arg7[%dma_wait3A_33] : memref<10192xi32, #tpu.memory_space<vmem>> -> memref<104xi32, #tpu.memory_space<vmem>>
    %dma_wait3A_35 = arith.constant 0 : i32
    %dma_wait3A_36 = arith.constant 0 : i32
    %dma_wait3A_37 = tpu.memref_slice %arg10[%dma_wait3A_35, %dma_wait3A_36] : memref<10240x128xf32, #tpu.memory_space<vmem_shared>> -> memref<10240x128xf32, #tpu.memory_space<vmem_shared>>
    tpu.wait_indirect_dma semaphore(%arg13 : memref<!tpu.dma_semaphore, #tpu.memory_space<semaphore_mem>>) src(%arg8 : memref<104x128xf32, #tpu.memory_space<vmem>>) dst(%dma_wait3A_37 : memref<10240x128xf32, #tpu.memory_space<vmem_shared>>)
    %dma_start3A_38 = arith.constant 208 : i32
    %dma_start3A_39 = tpu.memref_slice %arg6[%dma_start3A_38] : memref<10192xi32, #tpu.memory_space<vmem>> -> memref<104xi32, #tpu.memory_space<vmem>>
    %dma_start3A_40 = arith.constant 0 : i32
    %dma_start3A_41 = arith.constant 0 : i32
    %dma_start3A_42 = tpu.memref_slice %arg2[%dma_start3A_40, %dma_start3A_41] : memref<20480x128xf32, #tpu.memory_space<hbm>> -> memref<20480x128xf32, #tpu.memory_space<hbm>>
    tpu.enqueue_indirect_dma source(%dma_start3A_42 : memref<20480x128xf32, #tpu.memory_space<hbm>>) target(%arg8 : memref<104x128xf32, #tpu.memory_space<vmem>>) offsets(%dma_start3A_39 : memref<104xi32, #tpu.memory_space<vmem>>) semaphore(%arg11 : memref<!tpu.dma_semaphore, #tpu.memory_space<semaphore_mem>>)
    %scan3A = arith.constant 0 : i32
    %scan3A_43 = arith.constant 1 : i32
    %scan3A_44 = arith.constant 47 : i32
    %scan3A_45 = arith.addi %scan3A_43, %scan3A_44 : i32
    %scan3A_46 = arith.constant 1 : i32
    scf.for %scan3A_93 = %scan3A_43 to %scan3A_45 step %scan3A_46  : i32 {
      %mul3A_94 = arith.constant 2 : i32
      %mul3A_95 = arith.muli %mul3A_94, %scan3A_93 : i32
      %mul3A_96 = arith.constant 104 : i32
      %mul3A_97 = arith.muli %mul3A_95, %mul3A_96 : i32
      %dma_wait3A_98 = tpu.memref_slice %arg6[%mul3A_97] : memref<10192xi32, #tpu.memory_space<vmem>> -> memref<104xi32, #tpu.memory_space<vmem>>
      %dma_wait3A_99 = arith.constant 0 : i32
      %dma_wait3A_100 = arith.constant 0 : i32
      %dma_wait3A_101 = tpu.memref_slice %arg2[%dma_wait3A_99, %dma_wait3A_100] : memref<20480x128xf32, #tpu.memory_space<hbm>> -> memref<20480x128xf32, #tpu.memory_space<hbm>>
      tpu.wait_indirect_dma semaphore(%arg11 : memref<!tpu.dma_semaphore, #tpu.memory_space<semaphore_mem>>) src(%dma_wait3A_101 : memref<20480x128xf32, #tpu.memory_space<hbm>>) dst(%arg8 : memref<104x128xf32, #tpu.memory_space<vmem>>)
      %mul3A_102 = arith.constant 104 : i32
      %mul3A_103 = arith.muli %mul3A_95, %mul3A_102 : i32
      %dma_start3A_104 = tpu.memref_slice %arg7[%mul3A_103] : memref<10192xi32, #tpu.memory_space<vmem>> -> memref<104xi32, #tpu.memory_space<vmem>>
      %dma_start3A_105 = arith.constant 0 : i32
      %dma_start3A_106 = arith.constant 0 : i32
      %dma_start3A_107 = tpu.memref_slice %arg10[%dma_start3A_105, %dma_start3A_106] : memref<10240x128xf32, #tpu.memory_space<vmem_shared>> -> memref<10240x128xf32, #tpu.memory_space<vmem_shared>>
      tpu.enqueue_indirect_dma source(%arg8 : memref<104x128xf32, #tpu.memory_space<vmem>>) target(%dma_start3A_107 : memref<10240x128xf32, #tpu.memory_space<vmem_shared>>) offsets(%dma_start3A_104 : memref<104xi32, #tpu.memory_space<vmem>>) semaphore(%arg13 : memref<!tpu.dma_semaphore, #tpu.memory_space<semaphore_mem>>) {add = true}
      %sub3A = arith.constant 1 : i32
      %sub3A_108 = arith.subi %mul3A_95, %sub3A : i32
      %mul3A_109 = arith.constant 104 : i32
      %mul3A_110 = arith.muli %sub3A_108, %mul3A_109 : i32
      %dma_wait3A_111 = tpu.memref_slice %arg7[%mul3A_110] : memref<10192xi32, #tpu.memory_space<vmem>> -> memref<104xi32, #tpu.memory_space<vmem>>
      %dma_wait3A_112 = arith.constant 0 : i32
      %dma_wait3A_113 = arith.constant 0 : i32
      %dma_wait3A_114 = tpu.memref_slice %arg10[%dma_wait3A_112, %dma_wait3A_113] : memref<10240x128xf32, #tpu.memory_space<vmem_shared>> -> memref<10240x128xf32, #tpu.memory_space<vmem_shared>>
      tpu.wait_indirect_dma semaphore(%arg14 : memref<!tpu.dma_semaphore, #tpu.memory_space<semaphore_mem>>) src(%arg9 : memref<104x128xf32, #tpu.memory_space<vmem>>) dst(%dma_wait3A_114 : memref<10240x128xf32, #tpu.memory_space<vmem_shared>>)
      %add3A_115 = arith.constant 1 : i32
      %add3A_116 = arith.addi %mul3A_95, %add3A_115 : i32
      %mul3A_117 = arith.constant 104 : i32
      %mul3A_118 = arith.muli %add3A_116, %mul3A_117 : i32
      %dma_start3A_119 = tpu.memref_slice %arg6[%mul3A_118] : memref<10192xi32, #tpu.memory_space<vmem>> -> memref<104xi32, #tpu.memory_space<vmem>>
      %dma_start3A_120 = arith.constant 0 : i32
      %dma_start3A_121 = arith.constant 0 : i32
      %dma_start3A_122 = tpu.memref_slice %arg2[%dma_start3A_120, %dma_start3A_121] : memref<20480x128xf32, #tpu.memory_space<hbm>> -> memref<20480x128xf32, #tpu.memory_space<hbm>>
      tpu.enqueue_indirect_dma source(%dma_start3A_122 : memref<20480x128xf32, #tpu.memory_space<hbm>>) target(%arg9 : memref<104x128xf32, #tpu.memory_space<vmem>>) offsets(%dma_start3A_119 : memref<104xi32, #tpu.memory_space<vmem>>) semaphore(%arg12 : memref<!tpu.dma_semaphore, #tpu.memory_space<semaphore_mem>>)
      %add3A_123 = arith.constant 1 : i32
      %add3A_124 = arith.addi %mul3A_95, %add3A_123 : i32
      %mul3A_125 = arith.constant 104 : i32
      %mul3A_126 = arith.muli %add3A_124, %mul3A_125 : i32
      %dma_wait3A_127 = tpu.memref_slice %arg6[%mul3A_126] : memref<10192xi32, #tpu.memory_space<vmem>> -> memref<104xi32, #tpu.memory_space<vmem>>
      %dma_wait3A_128 = arith.constant 0 : i32
      %dma_wait3A_129 = arith.constant 0 : i32
      %dma_wait3A_130 = tpu.memref_slice %arg2[%dma_wait3A_128, %dma_wait3A_129] : memref<20480x128xf32, #tpu.memory_space<hbm>> -> memref<20480x128xf32, #tpu.memory_space<hbm>>
      tpu.wait_indirect_dma semaphore(%arg12 : memref<!tpu.dma_semaphore, #tpu.memory_space<semaphore_mem>>) src(%dma_wait3A_130 : memref<20480x128xf32, #tpu.memory_space<hbm>>) dst(%arg9 : memref<104x128xf32, #tpu.memory_space<vmem>>)
      %add3A_131 = arith.constant 1 : i32
      %add3A_132 = arith.addi %mul3A_95, %add3A_131 : i32
      %mul3A_133 = arith.constant 104 : i32
      %mul3A_134 = arith.muli %add3A_132, %mul3A_133 : i32
      %dma_start3A_135 = tpu.memref_slice %arg7[%mul3A_134] : memref<10192xi32, #tpu.memory_space<vmem>> -> memref<104xi32, #tpu.memory_space<vmem>>
      %dma_start3A_136 = arith.constant 0 : i32
      %dma_start3A_137 = arith.constant 0 : i32
      %dma_start3A_138 = tpu.memref_slice %arg10[%dma_start3A_136, %dma_start3A_137] : memref<10240x128xf32, #tpu.memory_space<vmem_shared>> -> memref<10240x128xf32, #tpu.memory_space<vmem_shared>>
      tpu.enqueue_indirect_dma source(%arg9 : memref<104x128xf32, #tpu.memory_space<vmem>>) target(%dma_start3A_138 : memref<10240x128xf32, #tpu.memory_space<vmem_shared>>) offsets(%dma_start3A_135 : memref<104xi32, #tpu.memory_space<vmem>>) semaphore(%arg14 : memref<!tpu.dma_semaphore, #tpu.memory_space<semaphore_mem>>) {add = true}
      %mul3A_139 = arith.constant 104 : i32
      %mul3A_140 = arith.muli %mul3A_95, %mul3A_139 : i32
      %dma_wait3A_141 = tpu.memref_slice %arg7[%mul3A_140] : memref<10192xi32, #tpu.memory_space<vmem>> -> memref<104xi32, #tpu.memory_space<vmem>>
      %dma_wait3A_142 = arith.constant 0 : i32
      %dma_wait3A_143 = arith.constant 0 : i32
      %dma_wait3A_144 = tpu.memref_slice %arg10[%dma_wait3A_142, %dma_wait3A_143] : memref<10240x128xf32, #tpu.memory_space<vmem_shared>> -> memref<10240x128xf32, #tpu.memory_space<vmem_shared>>
      tpu.wait_indirect_dma semaphore(%arg13 : memref<!tpu.dma_semaphore, #tpu.memory_space<semaphore_mem>>) src(%arg8 : memref<104x128xf32, #tpu.memory_space<vmem>>) dst(%dma_wait3A_144 : memref<10240x128xf32, #tpu.memory_space<vmem_shared>>)
      %add3A_145 = arith.constant 2 : i32
      %add3A_146 = arith.addi %mul3A_95, %add3A_145 : i32
      %mul3A_147 = arith.constant 104 : i32
      %mul3A_148 = arith.muli %add3A_146, %mul3A_147 : i32
      %dma_start3A_149 = tpu.memref_slice %arg6[%mul3A_148] : memref<10192xi32, #tpu.memory_space<vmem>> -> memref<104xi32, #tpu.memory_space<vmem>>
      %dma_start3A_150 = arith.constant 0 : i32
      %dma_start3A_151 = arith.constant 0 : i32
      %dma_start3A_152 = tpu.memref_slice %arg2[%dma_start3A_150, %dma_start3A_151] : memref<20480x128xf32, #tpu.memory_space<hbm>> -> memref<20480x128xf32, #tpu.memory_space<hbm>>
      tpu.enqueue_indirect_dma source(%dma_start3A_152 : memref<20480x128xf32, #tpu.memory_space<hbm>>) target(%arg8 : memref<104x128xf32, #tpu.memory_space<vmem>>) offsets(%dma_start3A_149 : memref<104xi32, #tpu.memory_space<vmem>>) semaphore(%arg11 : memref<!tpu.dma_semaphore, #tpu.memory_space<semaphore_mem>>)
    }
    %scan3A_47 = arith.constant 47 : i32
    %dma_wait3A_48 = arith.constant 9984 : i32
    %dma_wait3A_49 = tpu.memref_slice %arg6[%dma_wait3A_48] : memref<10192xi32, #tpu.memory_space<vmem>> -> memref<104xi32, #tpu.memory_space<vmem>>
    %dma_wait3A_50 = arith.constant 0 : i32
    %dma_wait3A_51 = arith.constant 0 : i32
    %dma_wait3A_52 = tpu.memref_slice %arg2[%dma_wait3A_50, %dma_wait3A_51] : memref<20480x128xf32, #tpu.memory_space<hbm>> -> memref<20480x128xf32, #tpu.memory_space<hbm>>
    tpu.wait_indirect_dma semaphore(%arg11 : memref<!tpu.dma_semaphore, #tpu.memory_space<semaphore_mem>>) src(%dma_wait3A_52 : memref<20480x128xf32, #tpu.memory_space<hbm>>) dst(%arg8 : memref<104x128xf32, #tpu.memory_space<vmem>>)
    %dma_start3A_53 = arith.constant 9984 : i32
    %dma_start3A_54 = tpu.memref_slice %arg7[%dma_start3A_53] : memref<10192xi32, #tpu.memory_space<vmem>> -> memref<104xi32, #tpu.memory_space<vmem>>
    %dma_start3A_55 = arith.constant 0 : i32
    %dma_start3A_56 = arith.constant 0 : i32
    %dma_start3A_57 = tpu.memref_slice %arg10[%dma_start3A_55, %dma_start3A_56] : memref<10240x128xf32, #tpu.memory_space<vmem_shared>> -> memref<10240x128xf32, #tpu.memory_space<vmem_shared>>
    tpu.enqueue_indirect_dma source(%arg8 : memref<104x128xf32, #tpu.memory_space<vmem>>) target(%dma_start3A_57 : memref<10240x128xf32, #tpu.memory_space<vmem_shared>>) offsets(%dma_start3A_54 : memref<104xi32, #tpu.memory_space<vmem>>) semaphore(%arg13 : memref<!tpu.dma_semaphore, #tpu.memory_space<semaphore_mem>>) {add = true}
    %dma_wait3A_58 = arith.constant 9880 : i32
    %dma_wait3A_59 = tpu.memref_slice %arg7[%dma_wait3A_58] : memref<10192xi32, #tpu.memory_space<vmem>> -> memref<104xi32, #tpu.memory_space<vmem>>
    %dma_wait3A_60 = arith.constant 0 : i32
    %dma_wait3A_61 = arith.constant 0 : i32
    %dma_wait3A_62 = tpu.memref_slice %arg10[%dma_wait3A_60, %dma_wait3A_61] : memref<10240x128xf32, #tpu.memory_space<vmem_shared>> -> memref<10240x128xf32, #tpu.memory_space<vmem_shared>>
    tpu.wait_indirect_dma semaphore(%arg14 : memref<!tpu.dma_semaphore, #tpu.memory_space<semaphore_mem>>) src(%arg9 : memref<104x128xf32, #tpu.memory_space<vmem>>) dst(%dma_wait3A_62 : memref<10240x128xf32, #tpu.memory_space<vmem_shared>>)
    %dma_start3A_63 = arith.constant 10088 : i32
    %dma_start3A_64 = tpu.memref_slice %arg6[%dma_start3A_63] : memref<10192xi32, #tpu.memory_space<vmem>> -> memref<104xi32, #tpu.memory_space<vmem>>
    %dma_start3A_65 = arith.constant 0 : i32
    %dma_start3A_66 = arith.constant 0 : i32
    %dma_start3A_67 = tpu.memref_slice %arg2[%dma_start3A_65, %dma_start3A_66] : memref<20480x128xf32, #tpu.memory_space<hbm>> -> memref<20480x128xf32, #tpu.memory_space<hbm>>
    tpu.enqueue_indirect_dma source(%dma_start3A_67 : memref<20480x128xf32, #tpu.memory_space<hbm>>) target(%arg9 : memref<104x128xf32, #tpu.memory_space<vmem>>) offsets(%dma_start3A_64 : memref<104xi32, #tpu.memory_space<vmem>>) semaphore(%arg12 : memref<!tpu.dma_semaphore, #tpu.memory_space<semaphore_mem>>)
    %dma_wait3A_68 = arith.constant 10088 : i32
    %dma_wait3A_69 = tpu.memref_slice %arg6[%dma_wait3A_68] : memref<10192xi32, #tpu.memory_space<vmem>> -> memref<104xi32, #tpu.memory_space<vmem>>
    %dma_wait3A_70 = arith.constant 0 : i32
    %dma_wait3A_71 = arith.constant 0 : i32
    %dma_wait3A_72 = tpu.memref_slice %arg2[%dma_wait3A_70, %dma_wait3A_71] : memref<20480x128xf32, #tpu.memory_space<hbm>> -> memref<20480x128xf32, #tpu.memory_space<hbm>>
    tpu.wait_indirect_dma semaphore(%arg12 : memref<!tpu.dma_semaphore, #tpu.memory_space<semaphore_mem>>) src(%dma_wait3A_72 : memref<20480x128xf32, #tpu.memory_space<hbm>>) dst(%arg9 : memref<104x128xf32, #tpu.memory_space<vmem>>)
    %dma_start3A_73 = arith.constant 10088 : i32
    %dma_start3A_74 = tpu.memref_slice %arg7[%dma_start3A_73] : memref<10192xi32, #tpu.memory_space<vmem>> -> memref<104xi32, #tpu.memory_space<vmem>>
    %dma_start3A_75 = arith.constant 0 : i32
    %dma_start3A_76 = arith.constant 0 : i32
    %dma_start3A_77 = tpu.memref_slice %arg10[%dma_start3A_75, %dma_start3A_76] : memref<10240x128xf32, #tpu.memory_space<vmem_shared>> -> memref<10240x128xf32, #tpu.memory_space<vmem_shared>>
    tpu.enqueue_indirect_dma source(%arg9 : memref<104x128xf32, #tpu.memory_space<vmem>>) target(%dma_start3A_77 : memref<10240x128xf32, #tpu.memory_space<vmem_shared>>) offsets(%dma_start3A_74 : memref<104xi32, #tpu.memory_space<vmem>>) semaphore(%arg14 : memref<!tpu.dma_semaphore, #tpu.memory_space<semaphore_mem>>) {add = true}
    %dma_wait3A_78 = arith.constant 9984 : i32
    %dma_wait3A_79 = tpu.memref_slice %arg7[%dma_wait3A_78] : memref<10192xi32, #tpu.memory_space<vmem>> -> memref<104xi32, #tpu.memory_space<vmem>>
    %dma_wait3A_80 = arith.constant 0 : i32
    %dma_wait3A_81 = arith.constant 0 : i32
    %dma_wait3A_82 = tpu.memref_slice %arg10[%dma_wait3A_80, %dma_wait3A_81] : memref<10240x128xf32, #tpu.memory_space<vmem_shared>> -> memref<10240x128xf32, #tpu.memory_space<vmem_shared>>
    tpu.wait_indirect_dma semaphore(%arg13 : memref<!tpu.dma_semaphore, #tpu.memory_space<semaphore_mem>>) src(%arg8 : memref<104x128xf32, #tpu.memory_space<vmem>>) dst(%dma_wait3A_82 : memref<10240x128xf32, #tpu.memory_space<vmem_shared>>)
    %dma_wait3A_83 = arith.constant 10088 : i32
    %dma_wait3A_84 = tpu.memref_slice %arg7[%dma_wait3A_83] : memref<10192xi32, #tpu.memory_space<vmem>> -> memref<104xi32, #tpu.memory_space<vmem>>
    %dma_wait3A_85 = arith.constant 0 : i32
    %dma_wait3A_86 = arith.constant 0 : i32
    %dma_wait3A_87 = tpu.memref_slice %arg10[%dma_wait3A_85, %dma_wait3A_86] : memref<10240x128xf32, #tpu.memory_space<vmem_shared>> -> memref<10240x128xf32, #tpu.memory_space<vmem_shared>>
    tpu.wait_indirect_dma semaphore(%arg14 : memref<!tpu.dma_semaphore, #tpu.memory_space<semaphore_mem>>) src(%arg9 : memref<104x128xf32, #tpu.memory_space<vmem>>) dst(%dma_wait3A_87 : memref<10240x128xf32, #tpu.memory_space<vmem_shared>>)
    %barrier3A_88 = arith.constant 0 : index
    tpu.barrier barrier_id(%barrier3A_88)
    %mul3A_89 = arith.constant 640 : i32
    %mul3A_90 = arith.muli %arg1, %mul3A_89 : i32
    %mul3A_91 = arith.constant 640 : i32
    %mul3A_92 = arith.muli %arg1, %mul3A_91 : i32
    "tpu.region"() ({
      %run_scoped3A = tpu.sem_alloc : memref<!tpu.dma_semaphore, #tpu.memory_space<semaphore_mem>>
      %dma_start3A_93 = arith.constant 0 : i32
      %dma_start3A_94 = tpu.memref_slice %arg5[%arg0, %mul3A_92, %dma_start3A_93] : memref<2x10240x128xf32, #tpu.memory_space<hbm>> -> memref<1x640x128xf32, #tpu.memory_space<hbm>>
      %dma_start3A_95 = tpu.memref_squeeze %dma_start3A_94 : memref<1x640x128xf32, #tpu.memory_space<hbm>> -> memref<640x128xf32, #tpu.memory_space<hbm>>
      %dma_start3A_96 = arith.constant 0 : i32
      %dma_start3A_97 = tpu.memref_slice %arg10[%mul3A_90, %dma_start3A_96] : memref<10240x128xf32, #tpu.memory_space<vmem_shared>> -> memref<640x128xf32, #tpu.memory_space<vmem_shared>>
      tpu.enqueue_dma source(%dma_start3A_97 : memref<640x128xf32, #tpu.memory_space<vmem_shared>>) target(%dma_start3A_95 : memref<640x128xf32, #tpu.memory_space<hbm>>) target_semaphore(%run_scoped3A : memref<!tpu.dma_semaphore, #tpu.memory_space<semaphore_mem>>)
      %dma_wait3A_98 = arith.constant 0 : i32
      %dma_wait3A_99 = tpu.memref_slice %arg5[%arg0, %mul3A_92, %dma_wait3A_98] : memref<2x10240x128xf32, #tpu.memory_space<hbm>> -> memref<1x640x128xf32, #tpu.memory_space<hbm>>
      %dma_wait3A_100 = tpu.memref_squeeze %dma_wait3A_99 : memref<1x640x128xf32, #tpu.memory_space<hbm>> -> memref<640x128xf32, #tpu.memory_space<hbm>>
      %dma_wait3A_101 = arith.constant 0 : i32
      %dma_wait3A_102 = tpu.memref_slice %arg10[%mul3A_90, %dma_wait3A_101] : memref<10240x128xf32, #tpu.memory_space<vmem_shared>> -> memref<640x128xf32, #tpu.memory_space<vmem_shared>>
      tpu.wait_dma2 semaphore(%run_scoped3A : memref<!tpu.dma_semaphore, #tpu.memory_space<semaphore_mem>>) src(%dma_wait3A_102 : memref<640x128xf32, #tpu.memory_space<vmem_shared>>) dst(%dma_wait3A_100 : memref<640x128xf32, #tpu.memory_space<hbm>>)
      tpu.yield
    }) : () -> ()
    return
  }
}

#map = affine_map<(d0, d1) -> (0, 0)>
#map1 = affine_map<(d0, d1) -> (0, 0, 0)>
module attributes {stable_mosaic.version = 14 : i64} {
  func.func @_sc_agg_body(%arg0: i32, %arg1: i32, %arg2: memref<20480x128xf32, #tpu.memory_space<hbm>>, %arg3: memref<2x16x10192xi32, #tpu.memory_space<hbm>>, %arg4: memref<16x10192xi32, #tpu.memory_space<hbm>>, %arg5: memref<2x10240x128xf32, #tpu.memory_space<hbm>>, %arg6: memref<10192xi32, #tpu.memory_space<vmem>>, %arg7: memref<10192xi32, #tpu.memory_space<vmem>>, %arg8: memref<104x128xf32, #tpu.memory_space<vmem>>, %arg9: memref<104x128xf32, #tpu.memory_space<vmem>>, %arg10: memref<10240x128xf32, #tpu.memory_space<vmem_shared>>, %arg11: memref<!tpu.dma_semaphore, #tpu.memory_space<semaphore_mem>>, %arg12: memref<!tpu.dma_semaphore, #tpu.memory_space<semaphore_mem>>, %arg13: memref<!tpu.dma_semaphore, #tpu.memory_space<semaphore_mem>>, %arg14: memref<!tpu.dma_semaphore, #tpu.memory_space<semaphore_mem>>) attributes {dimension_semantics = [#tpu.dimension_semantics<core_parallel>, #tpu.dimension_semantics<subcore_parallel>], iteration_bounds = array<i64: 2, 16>, scalar_prefetch = 0 : i64, scratch_operands = 9 : i64, tpu.core_type = #tpu.core_type<sc_vector_subcore>, window_params = [{transform_indices = #map}, {transform_indices = #map1}, {transform_indices = #map}, {transform_indices = #map1}]} {
    %mul3A = arith.constant 10240 : i32
    %mul3A_0 = arith.muli %arg0, %mul3A : i32
    %mul3A_1 = arith.constant 640 : i32
    %mul3A_2 = arith.muli %arg1, %mul3A_1 : i32
    %add3A = arith.addi %mul3A_0, %mul3A_2 : i32
    %mul3A_3 = arith.constant 640 : i32
    %mul3A_4 = arith.muli %arg1, %mul3A_3 : i32
    "tpu.region"() ({
      %run_scoped3A = tpu.sem_alloc : memref<!tpu.dma_semaphore, #tpu.memory_space<semaphore_mem>>
      %dma_start3A_93 = arith.constant 0 : i32
      %dma_start3A_94 = tpu.memref_slice %arg10[%mul3A_4, %dma_start3A_93] : memref<10240x128xf32, #tpu.memory_space<vmem_shared>> -> memref<640x128xf32, #tpu.memory_space<vmem_shared>>
      %dma_start3A_95 = arith.constant 0 : i32
      %dma_start3A_96 = tpu.memref_slice %arg2[%add3A, %dma_start3A_95] : memref<20480x128xf32, #tpu.memory_space<hbm>> -> memref<640x128xf32, #tpu.memory_space<hbm>>
      tpu.enqueue_dma source(%dma_start3A_96 : memref<640x128xf32, #tpu.memory_space<hbm>>) target(%dma_start3A_94 : memref<640x128xf32, #tpu.memory_space<vmem_shared>>) target_semaphore(%run_scoped3A : memref<!tpu.dma_semaphore, #tpu.memory_space<semaphore_mem>>)
      %dma_wait3A_97 = arith.constant 0 : i32
      %dma_wait3A_98 = tpu.memref_slice %arg10[%mul3A_4, %dma_wait3A_97] : memref<10240x128xf32, #tpu.memory_space<vmem_shared>> -> memref<640x128xf32, #tpu.memory_space<vmem_shared>>
      %dma_wait3A_99 = arith.constant 0 : i32
      %dma_wait3A_100 = tpu.memref_slice %arg2[%add3A, %dma_wait3A_99] : memref<20480x128xf32, #tpu.memory_space<hbm>> -> memref<640x128xf32, #tpu.memory_space<hbm>>
      tpu.wait_dma2 semaphore(%run_scoped3A : memref<!tpu.dma_semaphore, #tpu.memory_space<semaphore_mem>>) src(%dma_wait3A_100 : memref<640x128xf32, #tpu.memory_space<hbm>>) dst(%dma_wait3A_98 : memref<640x128xf32, #tpu.memory_space<vmem_shared>>)
      tpu.yield
    }) : () -> ()
    "tpu.region"() ({
      %run_scoped3A = tpu.sem_alloc : memref<!tpu.dma_semaphore, #tpu.memory_space<semaphore_mem>>
      %dma_start3A_93 = arith.constant 0 : i32
      %dma_start3A_94 = tpu.memref_slice %arg3[%arg0, %arg1, %dma_start3A_93] : memref<2x16x10192xi32, #tpu.memory_space<hbm>> -> memref<1x1x10192xi32, #tpu.memory_space<hbm>>
      %dma_start3A_95 = tpu.memref_squeeze %dma_start3A_94 : memref<1x1x10192xi32, #tpu.memory_space<hbm>> -> memref<10192xi32, #tpu.memory_space<hbm>>
      %dma_start3A_96 = arith.constant 0 : i32
      %dma_start3A_97 = tpu.memref_slice %arg3[%arg0, %arg1, %dma_start3A_96] : memref<2x16x10192xi32, #tpu.memory_space<hbm>> -> memref<1x1x10192xi32, #tpu.memory_space<hbm>>
      %dma_start3A_98 = tpu.memref_squeeze %dma_start3A_97 : memref<1x1x10192xi32, #tpu.memory_space<hbm>> -> memref<10192xi32, #tpu.memory_space<hbm>>
      tpu.enqueue_dma source(%dma_start3A_98 : memref<10192xi32, #tpu.memory_space<hbm>>) target(%arg6 : memref<10192xi32, #tpu.memory_space<vmem>>) target_semaphore(%run_scoped3A : memref<!tpu.dma_semaphore, #tpu.memory_space<semaphore_mem>>)
      %dma_wait3A_99 = arith.constant 0 : i32
      %dma_wait3A_100 = tpu.memref_slice %arg3[%arg0, %arg1, %dma_wait3A_99] : memref<2x16x10192xi32, #tpu.memory_space<hbm>> -> memref<1x1x10192xi32, #tpu.memory_space<hbm>>
      %dma_wait3A_101 = tpu.memref_squeeze %dma_wait3A_100 : memref<1x1x10192xi32, #tpu.memory_space<hbm>> -> memref<10192xi32, #tpu.memory_space<hbm>>
      %dma_wait3A_102 = arith.constant 0 : i32
      %dma_wait3A_103 = tpu.memref_slice %arg3[%arg0, %arg1, %dma_wait3A_102] : memref<2x16x10192xi32, #tpu.memory_space<hbm>> -> memref<1x1x10192xi32, #tpu.memory_space<hbm>>
      %dma_wait3A_104 = tpu.memref_squeeze %dma_wait3A_103 : memref<1x1x10192xi32, #tpu.memory_space<hbm>> -> memref<10192xi32, #tpu.memory_space<hbm>>
      tpu.wait_dma2 semaphore(%run_scoped3A : memref<!tpu.dma_semaphore, #tpu.memory_space<semaphore_mem>>) src(%dma_wait3A_104 : memref<10192xi32, #tpu.memory_space<hbm>>) dst(%arg6 : memref<10192xi32, #tpu.memory_space<vmem>>)
      tpu.yield
    }) : () -> ()
    "tpu.region"() ({
      %run_scoped3A = tpu.sem_alloc : memref<!tpu.dma_semaphore, #tpu.memory_space<semaphore_mem>>
      %dma_start3A_93 = arith.constant 0 : i32
      %dma_start3A_94 = tpu.memref_slice %arg4[%arg1, %dma_start3A_93] : memref<16x10192xi32, #tpu.memory_space<hbm>> -> memref<1x10192xi32, #tpu.memory_space<hbm>>
      %dma_start3A_95 = tpu.memref_squeeze %dma_start3A_94 : memref<1x10192xi32, #tpu.memory_space<hbm>> -> memref<10192xi32, #tpu.memory_space<hbm>>
      %dma_start3A_96 = arith.constant 0 : i32
      %dma_start3A_97 = tpu.memref_slice %arg4[%arg1, %dma_start3A_96] : memref<16x10192xi32, #tpu.memory_space<hbm>> -> memref<1x10192xi32, #tpu.memory_space<hbm>>
      %dma_start3A_98 = tpu.memref_squeeze %dma_start3A_97 : memref<1x10192xi32, #tpu.memory_space<hbm>> -> memref<10192xi32, #tpu.memory_space<hbm>>
      tpu.enqueue_dma source(%dma_start3A_98 : memref<10192xi32, #tpu.memory_space<hbm>>) target(%arg7 : memref<10192xi32, #tpu.memory_space<vmem>>) target_semaphore(%run_scoped3A : memref<!tpu.dma_semaphore, #tpu.memory_space<semaphore_mem>>)
      %dma_wait3A_99 = arith.constant 0 : i32
      %dma_wait3A_100 = tpu.memref_slice %arg4[%arg1, %dma_wait3A_99] : memref<16x10192xi32, #tpu.memory_space<hbm>> -> memref<1x10192xi32, #tpu.memory_space<hbm>>
      %dma_wait3A_101 = tpu.memref_squeeze %dma_wait3A_100 : memref<1x10192xi32, #tpu.memory_space<hbm>> -> memref<10192xi32, #tpu.memory_space<hbm>>
      %dma_wait3A_102 = arith.constant 0 : i32
      %dma_wait3A_103 = tpu.memref_slice %arg4[%arg1, %dma_wait3A_102] : memref<16x10192xi32, #tpu.memory_space<hbm>> -> memref<1x10192xi32, #tpu.memory_space<hbm>>
      %dma_wait3A_104 = tpu.memref_squeeze %dma_wait3A_103 : memref<1x10192xi32, #tpu.memory_space<hbm>> -> memref<10192xi32, #tpu.memory_space<hbm>>
      tpu.wait_dma2 semaphore(%run_scoped3A : memref<!tpu.dma_semaphore, #tpu.memory_space<semaphore_mem>>) src(%dma_wait3A_104 : memref<10192xi32, #tpu.memory_space<hbm>>) dst(%arg7 : memref<10192xi32, #tpu.memory_space<vmem>>)
      tpu.yield
    }) : () -> ()
    %barrier3A = arith.constant 0 : index
    tpu.barrier barrier_id(%barrier3A)
    %dma_start3A = arith.constant 0 : i32
    %dma_start3A_5 = tpu.memref_slice %arg6[%dma_start3A] : memref<10192xi32, #tpu.memory_space<vmem>> -> memref<104xi32, #tpu.memory_space<vmem>>
    %dma_start3A_6 = arith.constant 0 : i32
    %dma_start3A_7 = arith.constant 0 : i32
    %dma_start3A_8 = tpu.memref_slice %arg2[%dma_start3A_6, %dma_start3A_7] : memref<20480x128xf32, #tpu.memory_space<hbm>> -> memref<20480x128xf32, #tpu.memory_space<hbm>>
    tpu.enqueue_indirect_dma source(%dma_start3A_8 : memref<20480x128xf32, #tpu.memory_space<hbm>>) target(%arg8 : memref<104x128xf32, #tpu.memory_space<vmem>>) offsets(%dma_start3A_5 : memref<104xi32, #tpu.memory_space<vmem>>) semaphore(%arg11 : memref<!tpu.dma_semaphore, #tpu.memory_space<semaphore_mem>>)
    %dma_wait3A = arith.constant 0 : i32
    %dma_wait3A_9 = tpu.memref_slice %arg6[%dma_wait3A] : memref<10192xi32, #tpu.memory_space<vmem>> -> memref<104xi32, #tpu.memory_space<vmem>>
    %dma_wait3A_10 = arith.constant 0 : i32
    %dma_wait3A_11 = arith.constant 0 : i32
    %dma_wait3A_12 = tpu.memref_slice %arg2[%dma_wait3A_10, %dma_wait3A_11] : memref<20480x128xf32, #tpu.memory_space<hbm>> -> memref<20480x128xf32, #tpu.memory_space<hbm>>
    tpu.wait_indirect_dma semaphore(%arg11 : memref<!tpu.dma_semaphore, #tpu.memory_space<semaphore_mem>>) src(%dma_wait3A_12 : memref<20480x128xf32, #tpu.memory_space<hbm>>) dst(%arg8 : memref<104x128xf32, #tpu.memory_space<vmem>>)
    %dma_start3A_13 = arith.constant 0 : i32
    %dma_start3A_14 = tpu.memref_slice %arg7[%dma_start3A_13] : memref<10192xi32, #tpu.memory_space<vmem>> -> memref<104xi32, #tpu.memory_space<vmem>>
    %dma_start3A_15 = arith.constant 0 : i32
    %dma_start3A_16 = arith.constant 0 : i32
    %dma_start3A_17 = tpu.memref_slice %arg10[%dma_start3A_15, %dma_start3A_16] : memref<10240x128xf32, #tpu.memory_space<vmem_shared>> -> memref<10240x128xf32, #tpu.memory_space<vmem_shared>>
    tpu.enqueue_indirect_dma source(%arg8 : memref<104x128xf32, #tpu.memory_space<vmem>>) target(%dma_start3A_17 : memref<10240x128xf32, #tpu.memory_space<vmem_shared>>) offsets(%dma_start3A_14 : memref<104xi32, #tpu.memory_space<vmem>>) semaphore(%arg13 : memref<!tpu.dma_semaphore, #tpu.memory_space<semaphore_mem>>) {add = true}
    %dma_start3A_18 = arith.constant 104 : i32
    %dma_start3A_19 = tpu.memref_slice %arg6[%dma_start3A_18] : memref<10192xi32, #tpu.memory_space<vmem>> -> memref<104xi32, #tpu.memory_space<vmem>>
    %dma_start3A_20 = arith.constant 0 : i32
    %dma_start3A_21 = arith.constant 0 : i32
    %dma_start3A_22 = tpu.memref_slice %arg2[%dma_start3A_20, %dma_start3A_21] : memref<20480x128xf32, #tpu.memory_space<hbm>> -> memref<20480x128xf32, #tpu.memory_space<hbm>>
    tpu.enqueue_indirect_dma source(%dma_start3A_22 : memref<20480x128xf32, #tpu.memory_space<hbm>>) target(%arg9 : memref<104x128xf32, #tpu.memory_space<vmem>>) offsets(%dma_start3A_19 : memref<104xi32, #tpu.memory_space<vmem>>) semaphore(%arg12 : memref<!tpu.dma_semaphore, #tpu.memory_space<semaphore_mem>>)
    %dma_wait3A_23 = arith.constant 104 : i32
    %dma_wait3A_24 = tpu.memref_slice %arg6[%dma_wait3A_23] : memref<10192xi32, #tpu.memory_space<vmem>> -> memref<104xi32, #tpu.memory_space<vmem>>
    %dma_wait3A_25 = arith.constant 0 : i32
    %dma_wait3A_26 = arith.constant 0 : i32
    %dma_wait3A_27 = tpu.memref_slice %arg2[%dma_wait3A_25, %dma_wait3A_26] : memref<20480x128xf32, #tpu.memory_space<hbm>> -> memref<20480x128xf32, #tpu.memory_space<hbm>>
    tpu.wait_indirect_dma semaphore(%arg12 : memref<!tpu.dma_semaphore, #tpu.memory_space<semaphore_mem>>) src(%dma_wait3A_27 : memref<20480x128xf32, #tpu.memory_space<hbm>>) dst(%arg9 : memref<104x128xf32, #tpu.memory_space<vmem>>)
    %dma_start3A_28 = arith.constant 104 : i32
    %dma_start3A_29 = tpu.memref_slice %arg7[%dma_start3A_28] : memref<10192xi32, #tpu.memory_space<vmem>> -> memref<104xi32, #tpu.memory_space<vmem>>
    %dma_start3A_30 = arith.constant 0 : i32
    %dma_start3A_31 = arith.constant 0 : i32
    %dma_start3A_32 = tpu.memref_slice %arg10[%dma_start3A_30, %dma_start3A_31] : memref<10240x128xf32, #tpu.memory_space<vmem_shared>> -> memref<10240x128xf32, #tpu.memory_space<vmem_shared>>
    tpu.enqueue_indirect_dma source(%arg9 : memref<104x128xf32, #tpu.memory_space<vmem>>) target(%dma_start3A_32 : memref<10240x128xf32, #tpu.memory_space<vmem_shared>>) offsets(%dma_start3A_29 : memref<104xi32, #tpu.memory_space<vmem>>) semaphore(%arg14 : memref<!tpu.dma_semaphore, #tpu.memory_space<semaphore_mem>>) {add = true}
    %dma_wait3A_33 = arith.constant 0 : i32
    %dma_wait3A_34 = tpu.memref_slice %arg7[%dma_wait3A_33] : memref<10192xi32, #tpu.memory_space<vmem>> -> memref<104xi32, #tpu.memory_space<vmem>>
    %dma_wait3A_35 = arith.constant 0 : i32
    %dma_wait3A_36 = arith.constant 0 : i32
    %dma_wait3A_37 = tpu.memref_slice %arg10[%dma_wait3A_35, %dma_wait3A_36] : memref<10240x128xf32, #tpu.memory_space<vmem_shared>> -> memref<10240x128xf32, #tpu.memory_space<vmem_shared>>
    tpu.wait_indirect_dma semaphore(%arg13 : memref<!tpu.dma_semaphore, #tpu.memory_space<semaphore_mem>>) src(%arg8 : memref<104x128xf32, #tpu.memory_space<vmem>>) dst(%dma_wait3A_37 : memref<10240x128xf32, #tpu.memory_space<vmem_shared>>)
    %dma_start3A_38 = arith.constant 208 : i32
    %dma_start3A_39 = tpu.memref_slice %arg6[%dma_start3A_38] : memref<10192xi32, #tpu.memory_space<vmem>> -> memref<104xi32, #tpu.memory_space<vmem>>
    %dma_start3A_40 = arith.constant 0 : i32
    %dma_start3A_41 = arith.constant 0 : i32
    %dma_start3A_42 = tpu.memref_slice %arg2[%dma_start3A_40, %dma_start3A_41] : memref<20480x128xf32, #tpu.memory_space<hbm>> -> memref<20480x128xf32, #tpu.memory_space<hbm>>
    tpu.enqueue_indirect_dma source(%dma_start3A_42 : memref<20480x128xf32, #tpu.memory_space<hbm>>) target(%arg8 : memref<104x128xf32, #tpu.memory_space<vmem>>) offsets(%dma_start3A_39 : memref<104xi32, #tpu.memory_space<vmem>>) semaphore(%arg11 : memref<!tpu.dma_semaphore, #tpu.memory_space<semaphore_mem>>)
    %scan3A = arith.constant 0 : i32
    %scan3A_43 = arith.constant 1 : i32
    %scan3A_44 = arith.constant 47 : i32
    %scan3A_45 = arith.addi %scan3A_43, %scan3A_44 : i32
    %scan3A_46 = arith.constant 1 : i32
    scf.for %scan3A_93 = %scan3A_43 to %scan3A_45 step %scan3A_46  : i32 {
      %mul3A_94 = arith.constant 2 : i32
      %mul3A_95 = arith.muli %mul3A_94, %scan3A_93 : i32
      %mul3A_96 = arith.constant 104 : i32
      %mul3A_97 = arith.muli %mul3A_95, %mul3A_96 : i32
      %dma_wait3A_98 = tpu.memref_slice %arg6[%mul3A_97] : memref<10192xi32, #tpu.memory_space<vmem>> -> memref<104xi32, #tpu.memory_space<vmem>>
      %dma_wait3A_99 = arith.constant 0 : i32
      %dma_wait3A_100 = arith.constant 0 : i32
      %dma_wait3A_101 = tpu.memref_slice %arg2[%dma_wait3A_99, %dma_wait3A_100] : memref<20480x128xf32, #tpu.memory_space<hbm>> -> memref<20480x128xf32, #tpu.memory_space<hbm>>
      tpu.wait_indirect_dma semaphore(%arg11 : memref<!tpu.dma_semaphore, #tpu.memory_space<semaphore_mem>>) src(%dma_wait3A_101 : memref<20480x128xf32, #tpu.memory_space<hbm>>) dst(%arg8 : memref<104x128xf32, #tpu.memory_space<vmem>>)
      %mul3A_102 = arith.constant 104 : i32
      %mul3A_103 = arith.muli %mul3A_95, %mul3A_102 : i32
      %dma_start3A_104 = tpu.memref_slice %arg7[%mul3A_103] : memref<10192xi32, #tpu.memory_space<vmem>> -> memref<104xi32, #tpu.memory_space<vmem>>
      %dma_start3A_105 = arith.constant 0 : i32
      %dma_start3A_106 = arith.constant 0 : i32
      %dma_start3A_107 = tpu.memref_slice %arg10[%dma_start3A_105, %dma_start3A_106] : memref<10240x128xf32, #tpu.memory_space<vmem_shared>> -> memref<10240x128xf32, #tpu.memory_space<vmem_shared>>
      tpu.enqueue_indirect_dma source(%arg8 : memref<104x128xf32, #tpu.memory_space<vmem>>) target(%dma_start3A_107 : memref<10240x128xf32, #tpu.memory_space<vmem_shared>>) offsets(%dma_start3A_104 : memref<104xi32, #tpu.memory_space<vmem>>) semaphore(%arg13 : memref<!tpu.dma_semaphore, #tpu.memory_space<semaphore_mem>>) {add = true}
      %sub3A = arith.constant 1 : i32
      %sub3A_108 = arith.subi %mul3A_95, %sub3A : i32
      %mul3A_109 = arith.constant 104 : i32
      %mul3A_110 = arith.muli %sub3A_108, %mul3A_109 : i32
      %dma_wait3A_111 = tpu.memref_slice %arg7[%mul3A_110] : memref<10192xi32, #tpu.memory_space<vmem>> -> memref<104xi32, #tpu.memory_space<vmem>>
      %dma_wait3A_112 = arith.constant 0 : i32
      %dma_wait3A_113 = arith.constant 0 : i32
      %dma_wait3A_114 = tpu.memref_slice %arg10[%dma_wait3A_112, %dma_wait3A_113] : memref<10240x128xf32, #tpu.memory_space<vmem_shared>> -> memref<10240x128xf32, #tpu.memory_space<vmem_shared>>
      tpu.wait_indirect_dma semaphore(%arg14 : memref<!tpu.dma_semaphore, #tpu.memory_space<semaphore_mem>>) src(%arg9 : memref<104x128xf32, #tpu.memory_space<vmem>>) dst(%dma_wait3A_114 : memref<10240x128xf32, #tpu.memory_space<vmem_shared>>)
      %add3A_115 = arith.constant 1 : i32
      %add3A_116 = arith.addi %mul3A_95, %add3A_115 : i32
      %mul3A_117 = arith.constant 104 : i32
      %mul3A_118 = arith.muli %add3A_116, %mul3A_117 : i32
      %dma_start3A_119 = tpu.memref_slice %arg6[%mul3A_118] : memref<10192xi32, #tpu.memory_space<vmem>> -> memref<104xi32, #tpu.memory_space<vmem>>
      %dma_start3A_120 = arith.constant 0 : i32
      %dma_start3A_121 = arith.constant 0 : i32
      %dma_start3A_122 = tpu.memref_slice %arg2[%dma_start3A_120, %dma_start3A_121] : memref<20480x128xf32, #tpu.memory_space<hbm>> -> memref<20480x128xf32, #tpu.memory_space<hbm>>
      tpu.enqueue_indirect_dma source(%dma_start3A_122 : memref<20480x128xf32, #tpu.memory_space<hbm>>) target(%arg9 : memref<104x128xf32, #tpu.memory_space<vmem>>) offsets(%dma_start3A_119 : memref<104xi32, #tpu.memory_space<vmem>>) semaphore(%arg12 : memref<!tpu.dma_semaphore, #tpu.memory_space<semaphore_mem>>)
      %add3A_123 = arith.constant 1 : i32
      %add3A_124 = arith.addi %mul3A_95, %add3A_123 : i32
      %mul3A_125 = arith.constant 104 : i32
      %mul3A_126 = arith.muli %add3A_124, %mul3A_125 : i32
      %dma_wait3A_127 = tpu.memref_slice %arg6[%mul3A_126] : memref<10192xi32, #tpu.memory_space<vmem>> -> memref<104xi32, #tpu.memory_space<vmem>>
      %dma_wait3A_128 = arith.constant 0 : i32
      %dma_wait3A_129 = arith.constant 0 : i32
      %dma_wait3A_130 = tpu.memref_slice %arg2[%dma_wait3A_128, %dma_wait3A_129] : memref<20480x128xf32, #tpu.memory_space<hbm>> -> memref<20480x128xf32, #tpu.memory_space<hbm>>
      tpu.wait_indirect_dma semaphore(%arg12 : memref<!tpu.dma_semaphore, #tpu.memory_space<semaphore_mem>>) src(%dma_wait3A_130 : memref<20480x128xf32, #tpu.memory_space<hbm>>) dst(%arg9 : memref<104x128xf32, #tpu.memory_space<vmem>>)
      %add3A_131 = arith.constant 1 : i32
      %add3A_132 = arith.addi %mul3A_95, %add3A_131 : i32
      %mul3A_133 = arith.constant 104 : i32
      %mul3A_134 = arith.muli %add3A_132, %mul3A_133 : i32
      %dma_start3A_135 = tpu.memref_slice %arg7[%mul3A_134] : memref<10192xi32, #tpu.memory_space<vmem>> -> memref<104xi32, #tpu.memory_space<vmem>>
      %dma_start3A_136 = arith.constant 0 : i32
      %dma_start3A_137 = arith.constant 0 : i32
      %dma_start3A_138 = tpu.memref_slice %arg10[%dma_start3A_136, %dma_start3A_137] : memref<10240x128xf32, #tpu.memory_space<vmem_shared>> -> memref<10240x128xf32, #tpu.memory_space<vmem_shared>>
      tpu.enqueue_indirect_dma source(%arg9 : memref<104x128xf32, #tpu.memory_space<vmem>>) target(%dma_start3A_138 : memref<10240x128xf32, #tpu.memory_space<vmem_shared>>) offsets(%dma_start3A_135 : memref<104xi32, #tpu.memory_space<vmem>>) semaphore(%arg14 : memref<!tpu.dma_semaphore, #tpu.memory_space<semaphore_mem>>) {add = true}
      %mul3A_139 = arith.constant 104 : i32
      %mul3A_140 = arith.muli %mul3A_95, %mul3A_139 : i32
      %dma_wait3A_141 = tpu.memref_slice %arg7[%mul3A_140] : memref<10192xi32, #tpu.memory_space<vmem>> -> memref<104xi32, #tpu.memory_space<vmem>>
      %dma_wait3A_142 = arith.constant 0 : i32
      %dma_wait3A_143 = arith.constant 0 : i32
      %dma_wait3A_144 = tpu.memref_slice %arg10[%dma_wait3A_142, %dma_wait3A_143] : memref<10240x128xf32, #tpu.memory_space<vmem_shared>> -> memref<10240x128xf32, #tpu.memory_space<vmem_shared>>
      tpu.wait_indirect_dma semaphore(%arg13 : memref<!tpu.dma_semaphore, #tpu.memory_space<semaphore_mem>>) src(%arg8 : memref<104x128xf32, #tpu.memory_space<vmem>>) dst(%dma_wait3A_144 : memref<10240x128xf32, #tpu.memory_space<vmem_shared>>)
      %add3A_145 = arith.constant 2 : i32
      %add3A_146 = arith.addi %mul3A_95, %add3A_145 : i32
      %mul3A_147 = arith.constant 104 : i32
      %mul3A_148 = arith.muli %add3A_146, %mul3A_147 : i32
      %dma_start3A_149 = tpu.memref_slice %arg6[%mul3A_148] : memref<10192xi32, #tpu.memory_space<vmem>> -> memref<104xi32, #tpu.memory_space<vmem>>
      %dma_start3A_150 = arith.constant 0 : i32
      %dma_start3A_151 = arith.constant 0 : i32
      %dma_start3A_152 = tpu.memref_slice %arg2[%dma_start3A_150, %dma_start3A_151] : memref<20480x128xf32, #tpu.memory_space<hbm>> -> memref<20480x128xf32, #tpu.memory_space<hbm>>
      tpu.enqueue_indirect_dma source(%dma_start3A_152 : memref<20480x128xf32, #tpu.memory_space<hbm>>) target(%arg8 : memref<104x128xf32, #tpu.memory_space<vmem>>) offsets(%dma_start3A_149 : memref<104xi32, #tpu.memory_space<vmem>>) semaphore(%arg11 : memref<!tpu.dma_semaphore, #tpu.memory_space<semaphore_mem>>)
    }
    %scan3A_47 = arith.constant 47 : i32
    %dma_wait3A_48 = arith.constant 9984 : i32
    %dma_wait3A_49 = tpu.memref_slice %arg6[%dma_wait3A_48] : memref<10192xi32, #tpu.memory_space<vmem>> -> memref<104xi32, #tpu.memory_space<vmem>>
    %dma_wait3A_50 = arith.constant 0 : i32
    %dma_wait3A_51 = arith.constant 0 : i32
    %dma_wait3A_52 = tpu.memref_slice %arg2[%dma_wait3A_50, %dma_wait3A_51] : memref<20480x128xf32, #tpu.memory_space<hbm>> -> memref<20480x128xf32, #tpu.memory_space<hbm>>
    tpu.wait_indirect_dma semaphore(%arg11 : memref<!tpu.dma_semaphore, #tpu.memory_space<semaphore_mem>>) src(%dma_wait3A_52 : memref<20480x128xf32, #tpu.memory_space<hbm>>) dst(%arg8 : memref<104x128xf32, #tpu.memory_space<vmem>>)
    %dma_start3A_53 = arith.constant 9984 : i32
    %dma_start3A_54 = tpu.memref_slice %arg7[%dma_start3A_53] : memref<10192xi32, #tpu.memory_space<vmem>> -> memref<104xi32, #tpu.memory_space<vmem>>
    %dma_start3A_55 = arith.constant 0 : i32
    %dma_start3A_56 = arith.constant 0 : i32
    %dma_start3A_57 = tpu.memref_slice %arg10[%dma_start3A_55, %dma_start3A_56] : memref<10240x128xf32, #tpu.memory_space<vmem_shared>> -> memref<10240x128xf32, #tpu.memory_space<vmem_shared>>
    tpu.enqueue_indirect_dma source(%arg8 : memref<104x128xf32, #tpu.memory_space<vmem>>) target(%dma_start3A_57 : memref<10240x128xf32, #tpu.memory_space<vmem_shared>>) offsets(%dma_start3A_54 : memref<104xi32, #tpu.memory_space<vmem>>) semaphore(%arg13 : memref<!tpu.dma_semaphore, #tpu.memory_space<semaphore_mem>>) {add = true}
    %dma_wait3A_58 = arith.constant 9880 : i32
    %dma_wait3A_59 = tpu.memref_slice %arg7[%dma_wait3A_58] : memref<10192xi32, #tpu.memory_space<vmem>> -> memref<104xi32, #tpu.memory_space<vmem>>
    %dma_wait3A_60 = arith.constant 0 : i32
    %dma_wait3A_61 = arith.constant 0 : i32
    %dma_wait3A_62 = tpu.memref_slice %arg10[%dma_wait3A_60, %dma_wait3A_61] : memref<10240x128xf32, #tpu.memory_space<vmem_shared>> -> memref<10240x128xf32, #tpu.memory_space<vmem_shared>>
    tpu.wait_indirect_dma semaphore(%arg14 : memref<!tpu.dma_semaphore, #tpu.memory_space<semaphore_mem>>) src(%arg9 : memref<104x128xf32, #tpu.memory_space<vmem>>) dst(%dma_wait3A_62 : memref<10240x128xf32, #tpu.memory_space<vmem_shared>>)
    %dma_start3A_63 = arith.constant 10088 : i32
    %dma_start3A_64 = tpu.memref_slice %arg6[%dma_start3A_63] : memref<10192xi32, #tpu.memory_space<vmem>> -> memref<104xi32, #tpu.memory_space<vmem>>
    %dma_start3A_65 = arith.constant 0 : i32
    %dma_start3A_66 = arith.constant 0 : i32
    %dma_start3A_67 = tpu.memref_slice %arg2[%dma_start3A_65, %dma_start3A_66] : memref<20480x128xf32, #tpu.memory_space<hbm>> -> memref<20480x128xf32, #tpu.memory_space<hbm>>
    tpu.enqueue_indirect_dma source(%dma_start3A_67 : memref<20480x128xf32, #tpu.memory_space<hbm>>) target(%arg9 : memref<104x128xf32, #tpu.memory_space<vmem>>) offsets(%dma_start3A_64 : memref<104xi32, #tpu.memory_space<vmem>>) semaphore(%arg12 : memref<!tpu.dma_semaphore, #tpu.memory_space<semaphore_mem>>)
    %dma_wait3A_68 = arith.constant 10088 : i32
    %dma_wait3A_69 = tpu.memref_slice %arg6[%dma_wait3A_68] : memref<10192xi32, #tpu.memory_space<vmem>> -> memref<104xi32, #tpu.memory_space<vmem>>
    %dma_wait3A_70 = arith.constant 0 : i32
    %dma_wait3A_71 = arith.constant 0 : i32
    %dma_wait3A_72 = tpu.memref_slice %arg2[%dma_wait3A_70, %dma_wait3A_71] : memref<20480x128xf32, #tpu.memory_space<hbm>> -> memref<20480x128xf32, #tpu.memory_space<hbm>>
    tpu.wait_indirect_dma semaphore(%arg12 : memref<!tpu.dma_semaphore, #tpu.memory_space<semaphore_mem>>) src(%dma_wait3A_72 : memref<20480x128xf32, #tpu.memory_space<hbm>>) dst(%arg9 : memref<104x128xf32, #tpu.memory_space<vmem>>)
    %dma_start3A_73 = arith.constant 10088 : i32
    %dma_start3A_74 = tpu.memref_slice %arg7[%dma_start3A_73] : memref<10192xi32, #tpu.memory_space<vmem>> -> memref<104xi32, #tpu.memory_space<vmem>>
    %dma_start3A_75 = arith.constant 0 : i32
    %dma_start3A_76 = arith.constant 0 : i32
    %dma_start3A_77 = tpu.memref_slice %arg10[%dma_start3A_75, %dma_start3A_76] : memref<10240x128xf32, #tpu.memory_space<vmem_shared>> -> memref<10240x128xf32, #tpu.memory_space<vmem_shared>>
    tpu.enqueue_indirect_dma source(%arg9 : memref<104x128xf32, #tpu.memory_space<vmem>>) target(%dma_start3A_77 : memref<10240x128xf32, #tpu.memory_space<vmem_shared>>) offsets(%dma_start3A_74 : memref<104xi32, #tpu.memory_space<vmem>>) semaphore(%arg14 : memref<!tpu.dma_semaphore, #tpu.memory_space<semaphore_mem>>) {add = true}
    %dma_wait3A_78 = arith.constant 9984 : i32
    %dma_wait3A_79 = tpu.memref_slice %arg7[%dma_wait3A_78] : memref<10192xi32, #tpu.memory_space<vmem>> -> memref<104xi32, #tpu.memory_space<vmem>>
    %dma_wait3A_80 = arith.constant 0 : i32
    %dma_wait3A_81 = arith.constant 0 : i32
    %dma_wait3A_82 = tpu.memref_slice %arg10[%dma_wait3A_80, %dma_wait3A_81] : memref<10240x128xf32, #tpu.memory_space<vmem_shared>> -> memref<10240x128xf32, #tpu.memory_space<vmem_shared>>
    tpu.wait_indirect_dma semaphore(%arg13 : memref<!tpu.dma_semaphore, #tpu.memory_space<semaphore_mem>>) src(%arg8 : memref<104x128xf32, #tpu.memory_space<vmem>>) dst(%dma_wait3A_82 : memref<10240x128xf32, #tpu.memory_space<vmem_shared>>)
    %dma_wait3A_83 = arith.constant 10088 : i32
    %dma_wait3A_84 = tpu.memref_slice %arg7[%dma_wait3A_83] : memref<10192xi32, #tpu.memory_space<vmem>> -> memref<104xi32, #tpu.memory_space<vmem>>
    %dma_wait3A_85 = arith.constant 0 : i32
    %dma_wait3A_86 = arith.constant 0 : i32
    %dma_wait3A_87 = tpu.memref_slice %arg10[%dma_wait3A_85, %dma_wait3A_86] : memref<10240x128xf32, #tpu.memory_space<vmem_shared>> -> memref<10240x128xf32, #tpu.memory_space<vmem_shared>>
    tpu.wait_indirect_dma semaphore(%arg14 : memref<!tpu.dma_semaphore, #tpu.memory_space<semaphore_mem>>) src(%arg9 : memref<104x128xf32, #tpu.memory_space<vmem>>) dst(%dma_wait3A_87 : memref<10240x128xf32, #tpu.memory_space<vmem_shared>>)
    %barrier3A_88 = arith.constant 0 : index
    tpu.barrier barrier_id(%barrier3A_88)
    %mul3A_89 = arith.constant 640 : i32
    %mul3A_90 = arith.muli %arg1, %mul3A_89 : i32
    %mul3A_91 = arith.constant 640 : i32
    %mul3A_92 = arith.muli %arg1, %mul3A_91 : i32
    "tpu.region"() ({
      %run_scoped3A = tpu.sem_alloc : memref<!tpu.dma_semaphore, #tpu.memory_space<semaphore_mem>>
      %dma_start3A_93 = arith.constant 0 : i32
      %dma_start3A_94 = tpu.memref_slice %arg5[%arg0, %mul3A_92, %dma_start3A_93] : memref<2x10240x128xf32, #tpu.memory_space<hbm>> -> memref<1x640x128xf32, #tpu.memory_space<hbm>>
      %dma_start3A_95 = tpu.memref_squeeze %dma_start3A_94 : memref<1x640x128xf32, #tpu.memory_space<hbm>> -> memref<640x128xf32, #tpu.memory_space<hbm>>
      %dma_start3A_96 = arith.constant 0 : i32
      %dma_start3A_97 = tpu.memref_slice %arg10[%mul3A_90, %dma_start3A_96] : memref<10240x128xf32, #tpu.memory_space<vmem_shared>> -> memref<640x128xf32, #tpu.memory_space<vmem_shared>>
      tpu.enqueue_dma source(%dma_start3A_97 : memref<640x128xf32, #tpu.memory_space<vmem_shared>>) target(%dma_start3A_95 : memref<640x128xf32, #tpu.memory_space<hbm>>) target_semaphore(%run_scoped3A : memref<!tpu.dma_semaphore, #tpu.memory_space<semaphore_mem>>)
      %dma_wait3A_98 = arith.constant 0 : i32
      %dma_wait3A_99 = tpu.memref_slice %arg5[%arg0, %mul3A_92, %dma_wait3A_98] : memref<2x10240x128xf32, #tpu.memory_space<hbm>> -> memref<1x640x128xf32, #tpu.memory_space<hbm>>
      %dma_wait3A_100 = tpu.memref_squeeze %dma_wait3A_99 : memref<1x640x128xf32, #tpu.memory_space<hbm>> -> memref<640x128xf32, #tpu.memory_space<hbm>>
      %dma_wait3A_101 = arith.constant 0 : i32
      %dma_wait3A_102 = tpu.memref_slice %arg10[%mul3A_90, %dma_wait3A_101] : memref<10240x128xf32, #tpu.memory_space<vmem_shared>> -> memref<640x128xf32, #tpu.memory_space<vmem_shared>>
      tpu.wait_dma2 semaphore(%run_scoped3A : memref<!tpu.dma_semaphore, #tpu.memory_space<semaphore_mem>>) src(%dma_wait3A_102 : memref<640x128xf32, #tpu.memory_space<vmem_shared>>) dst(%dma_wait3A_100 : memref<640x128xf32, #tpu.memory_space<hbm>>)
      tpu.yield
    }) : () -> ()
    return
  }
}

#map = affine_map<(d0, d1) -> (0, 0)>
#map1 = affine_map<(d0, d1) -> (0, 0, 0)>
module attributes {stable_mosaic.version = 14 : i64} {
  func.func @_sc_agg_body(%arg0: i32, %arg1: i32, %arg2: memref<20480x128xf32, #tpu.memory_space<hbm>>, %arg3: memref<2x16x10192xi32, #tpu.memory_space<hbm>>, %arg4: memref<16x10192xi32, #tpu.memory_space<hbm>>, %arg5: memref<2x10240x128xf32, #tpu.memory_space<hbm>>, %arg6: memref<10192xi32, #tpu.memory_space<vmem>>, %arg7: memref<10192xi32, #tpu.memory_space<vmem>>, %arg8: memref<104x128xf32, #tpu.memory_space<vmem>>, %arg9: memref<104x128xf32, #tpu.memory_space<vmem>>, %arg10: memref<10240x128xf32, #tpu.memory_space<vmem_shared>>, %arg11: memref<!tpu.dma_semaphore, #tpu.memory_space<semaphore_mem>>, %arg12: memref<!tpu.dma_semaphore, #tpu.memory_space<semaphore_mem>>, %arg13: memref<!tpu.dma_semaphore, #tpu.memory_space<semaphore_mem>>, %arg14: memref<!tpu.dma_semaphore, #tpu.memory_space<semaphore_mem>>) attributes {dimension_semantics = [#tpu.dimension_semantics<core_parallel>, #tpu.dimension_semantics<subcore_parallel>], iteration_bounds = array<i64: 2, 16>, scalar_prefetch = 0 : i64, scratch_operands = 9 : i64, tpu.core_type = #tpu.core_type<sc_vector_subcore>, window_params = [{transform_indices = #map}, {transform_indices = #map1}, {transform_indices = #map}, {transform_indices = #map1}]} {
    %mul3A = arith.constant 10240 : i32
    %mul3A_0 = arith.muli %arg0, %mul3A : i32
    %mul3A_1 = arith.constant 640 : i32
    %mul3A_2 = arith.muli %arg1, %mul3A_1 : i32
    %add3A = arith.addi %mul3A_0, %mul3A_2 : i32
    %mul3A_3 = arith.constant 640 : i32
    %mul3A_4 = arith.muli %arg1, %mul3A_3 : i32
    "tpu.region"() ({
      %run_scoped3A = tpu.sem_alloc : memref<!tpu.dma_semaphore, #tpu.memory_space<semaphore_mem>>
      %dma_start3A_93 = arith.constant 0 : i32
      %dma_start3A_94 = tpu.memref_slice %arg10[%mul3A_4, %dma_start3A_93] : memref<10240x128xf32, #tpu.memory_space<vmem_shared>> -> memref<640x128xf32, #tpu.memory_space<vmem_shared>>
      %dma_start3A_95 = arith.constant 0 : i32
      %dma_start3A_96 = tpu.memref_slice %arg2[%add3A, %dma_start3A_95] : memref<20480x128xf32, #tpu.memory_space<hbm>> -> memref<640x128xf32, #tpu.memory_space<hbm>>
      tpu.enqueue_dma source(%dma_start3A_96 : memref<640x128xf32, #tpu.memory_space<hbm>>) target(%dma_start3A_94 : memref<640x128xf32, #tpu.memory_space<vmem_shared>>) target_semaphore(%run_scoped3A : memref<!tpu.dma_semaphore, #tpu.memory_space<semaphore_mem>>)
      %dma_wait3A_97 = arith.constant 0 : i32
      %dma_wait3A_98 = tpu.memref_slice %arg10[%mul3A_4, %dma_wait3A_97] : memref<10240x128xf32, #tpu.memory_space<vmem_shared>> -> memref<640x128xf32, #tpu.memory_space<vmem_shared>>
      %dma_wait3A_99 = arith.constant 0 : i32
      %dma_wait3A_100 = tpu.memref_slice %arg2[%add3A, %dma_wait3A_99] : memref<20480x128xf32, #tpu.memory_space<hbm>> -> memref<640x128xf32, #tpu.memory_space<hbm>>
      tpu.wait_dma2 semaphore(%run_scoped3A : memref<!tpu.dma_semaphore, #tpu.memory_space<semaphore_mem>>) src(%dma_wait3A_100 : memref<640x128xf32, #tpu.memory_space<hbm>>) dst(%dma_wait3A_98 : memref<640x128xf32, #tpu.memory_space<vmem_shared>>)
      tpu.yield
    }) : () -> ()
    "tpu.region"() ({
      %run_scoped3A = tpu.sem_alloc : memref<!tpu.dma_semaphore, #tpu.memory_space<semaphore_mem>>
      %dma_start3A_93 = arith.constant 0 : i32
      %dma_start3A_94 = tpu.memref_slice %arg3[%arg0, %arg1, %dma_start3A_93] : memref<2x16x10192xi32, #tpu.memory_space<hbm>> -> memref<1x1x10192xi32, #tpu.memory_space<hbm>>
      %dma_start3A_95 = tpu.memref_squeeze %dma_start3A_94 : memref<1x1x10192xi32, #tpu.memory_space<hbm>> -> memref<10192xi32, #tpu.memory_space<hbm>>
      %dma_start3A_96 = arith.constant 0 : i32
      %dma_start3A_97 = tpu.memref_slice %arg3[%arg0, %arg1, %dma_start3A_96] : memref<2x16x10192xi32, #tpu.memory_space<hbm>> -> memref<1x1x10192xi32, #tpu.memory_space<hbm>>
      %dma_start3A_98 = tpu.memref_squeeze %dma_start3A_97 : memref<1x1x10192xi32, #tpu.memory_space<hbm>> -> memref<10192xi32, #tpu.memory_space<hbm>>
      tpu.enqueue_dma source(%dma_start3A_98 : memref<10192xi32, #tpu.memory_space<hbm>>) target(%arg6 : memref<10192xi32, #tpu.memory_space<vmem>>) target_semaphore(%run_scoped3A : memref<!tpu.dma_semaphore, #tpu.memory_space<semaphore_mem>>)
      %dma_wait3A_99 = arith.constant 0 : i32
      %dma_wait3A_100 = tpu.memref_slice %arg3[%arg0, %arg1, %dma_wait3A_99] : memref<2x16x10192xi32, #tpu.memory_space<hbm>> -> memref<1x1x10192xi32, #tpu.memory_space<hbm>>
      %dma_wait3A_101 = tpu.memref_squeeze %dma_wait3A_100 : memref<1x1x10192xi32, #tpu.memory_space<hbm>> -> memref<10192xi32, #tpu.memory_space<hbm>>
      %dma_wait3A_102 = arith.constant 0 : i32
      %dma_wait3A_103 = tpu.memref_slice %arg3[%arg0, %arg1, %dma_wait3A_102] : memref<2x16x10192xi32, #tpu.memory_space<hbm>> -> memref<1x1x10192xi32, #tpu.memory_space<hbm>>
      %dma_wait3A_104 = tpu.memref_squeeze %dma_wait3A_103 : memref<1x1x10192xi32, #tpu.memory_space<hbm>> -> memref<10192xi32, #tpu.memory_space<hbm>>
      tpu.wait_dma2 semaphore(%run_scoped3A : memref<!tpu.dma_semaphore, #tpu.memory_space<semaphore_mem>>) src(%dma_wait3A_104 : memref<10192xi32, #tpu.memory_space<hbm>>) dst(%arg6 : memref<10192xi32, #tpu.memory_space<vmem>>)
      tpu.yield
    }) : () -> ()
    "tpu.region"() ({
      %run_scoped3A = tpu.sem_alloc : memref<!tpu.dma_semaphore, #tpu.memory_space<semaphore_mem>>
      %dma_start3A_93 = arith.constant 0 : i32
      %dma_start3A_94 = tpu.memref_slice %arg4[%arg1, %dma_start3A_93] : memref<16x10192xi32, #tpu.memory_space<hbm>> -> memref<1x10192xi32, #tpu.memory_space<hbm>>
      %dma_start3A_95 = tpu.memref_squeeze %dma_start3A_94 : memref<1x10192xi32, #tpu.memory_space<hbm>> -> memref<10192xi32, #tpu.memory_space<hbm>>
      %dma_start3A_96 = arith.constant 0 : i32
      %dma_start3A_97 = tpu.memref_slice %arg4[%arg1, %dma_start3A_96] : memref<16x10192xi32, #tpu.memory_space<hbm>> -> memref<1x10192xi32, #tpu.memory_space<hbm>>
      %dma_start3A_98 = tpu.memref_squeeze %dma_start3A_97 : memref<1x10192xi32, #tpu.memory_space<hbm>> -> memref<10192xi32, #tpu.memory_space<hbm>>
      tpu.enqueue_dma source(%dma_start3A_98 : memref<10192xi32, #tpu.memory_space<hbm>>) target(%arg7 : memref<10192xi32, #tpu.memory_space<vmem>>) target_semaphore(%run_scoped3A : memref<!tpu.dma_semaphore, #tpu.memory_space<semaphore_mem>>)
      %dma_wait3A_99 = arith.constant 0 : i32
      %dma_wait3A_100 = tpu.memref_slice %arg4[%arg1, %dma_wait3A_99] : memref<16x10192xi32, #tpu.memory_space<hbm>> -> memref<1x10192xi32, #tpu.memory_space<hbm>>
      %dma_wait3A_101 = tpu.memref_squeeze %dma_wait3A_100 : memref<1x10192xi32, #tpu.memory_space<hbm>> -> memref<10192xi32, #tpu.memory_space<hbm>>
      %dma_wait3A_102 = arith.constant 0 : i32
      %dma_wait3A_103 = tpu.memref_slice %arg4[%arg1, %dma_wait3A_102] : memref<16x10192xi32, #tpu.memory_space<hbm>> -> memref<1x10192xi32, #tpu.memory_space<hbm>>
      %dma_wait3A_104 = tpu.memref_squeeze %dma_wait3A_103 : memref<1x10192xi32, #tpu.memory_space<hbm>> -> memref<10192xi32, #tpu.memory_space<hbm>>
      tpu.wait_dma2 semaphore(%run_scoped3A : memref<!tpu.dma_semaphore, #tpu.memory_space<semaphore_mem>>) src(%dma_wait3A_104 : memref<10192xi32, #tpu.memory_space<hbm>>) dst(%arg7 : memref<10192xi32, #tpu.memory_space<vmem>>)
      tpu.yield
    }) : () -> ()
    %barrier3A = arith.constant 0 : index
    tpu.barrier barrier_id(%barrier3A)
    %dma_start3A = arith.constant 0 : i32
    %dma_start3A_5 = tpu.memref_slice %arg6[%dma_start3A] : memref<10192xi32, #tpu.memory_space<vmem>> -> memref<104xi32, #tpu.memory_space<vmem>>
    %dma_start3A_6 = arith.constant 0 : i32
    %dma_start3A_7 = arith.constant 0 : i32
    %dma_start3A_8 = tpu.memref_slice %arg2[%dma_start3A_6, %dma_start3A_7] : memref<20480x128xf32, #tpu.memory_space<hbm>> -> memref<20480x128xf32, #tpu.memory_space<hbm>>
    tpu.enqueue_indirect_dma source(%dma_start3A_8 : memref<20480x128xf32, #tpu.memory_space<hbm>>) target(%arg8 : memref<104x128xf32, #tpu.memory_space<vmem>>) offsets(%dma_start3A_5 : memref<104xi32, #tpu.memory_space<vmem>>) semaphore(%arg11 : memref<!tpu.dma_semaphore, #tpu.memory_space<semaphore_mem>>)
    %dma_wait3A = arith.constant 0 : i32
    %dma_wait3A_9 = tpu.memref_slice %arg6[%dma_wait3A] : memref<10192xi32, #tpu.memory_space<vmem>> -> memref<104xi32, #tpu.memory_space<vmem>>
    %dma_wait3A_10 = arith.constant 0 : i32
    %dma_wait3A_11 = arith.constant 0 : i32
    %dma_wait3A_12 = tpu.memref_slice %arg2[%dma_wait3A_10, %dma_wait3A_11] : memref<20480x128xf32, #tpu.memory_space<hbm>> -> memref<20480x128xf32, #tpu.memory_space<hbm>>
    tpu.wait_indirect_dma semaphore(%arg11 : memref<!tpu.dma_semaphore, #tpu.memory_space<semaphore_mem>>) src(%dma_wait3A_12 : memref<20480x128xf32, #tpu.memory_space<hbm>>) dst(%arg8 : memref<104x128xf32, #tpu.memory_space<vmem>>)
    %dma_start3A_13 = arith.constant 0 : i32
    %dma_start3A_14 = tpu.memref_slice %arg7[%dma_start3A_13] : memref<10192xi32, #tpu.memory_space<vmem>> -> memref<104xi32, #tpu.memory_space<vmem>>
    %dma_start3A_15 = arith.constant 0 : i32
    %dma_start3A_16 = arith.constant 0 : i32
    %dma_start3A_17 = tpu.memref_slice %arg10[%dma_start3A_15, %dma_start3A_16] : memref<10240x128xf32, #tpu.memory_space<vmem_shared>> -> memref<10240x128xf32, #tpu.memory_space<vmem_shared>>
    tpu.enqueue_indirect_dma source(%arg8 : memref<104x128xf32, #tpu.memory_space<vmem>>) target(%dma_start3A_17 : memref<10240x128xf32, #tpu.memory_space<vmem_shared>>) offsets(%dma_start3A_14 : memref<104xi32, #tpu.memory_space<vmem>>) semaphore(%arg13 : memref<!tpu.dma_semaphore, #tpu.memory_space<semaphore_mem>>) {add = true}
    %dma_start3A_18 = arith.constant 104 : i32
    %dma_start3A_19 = tpu.memref_slice %arg6[%dma_start3A_18] : memref<10192xi32, #tpu.memory_space<vmem>> -> memref<104xi32, #tpu.memory_space<vmem>>
    %dma_start3A_20 = arith.constant 0 : i32
    %dma_start3A_21 = arith.constant 0 : i32
    %dma_start3A_22 = tpu.memref_slice %arg2[%dma_start3A_20, %dma_start3A_21] : memref<20480x128xf32, #tpu.memory_space<hbm>> -> memref<20480x128xf32, #tpu.memory_space<hbm>>
    tpu.enqueue_indirect_dma source(%dma_start3A_22 : memref<20480x128xf32, #tpu.memory_space<hbm>>) target(%arg9 : memref<104x128xf32, #tpu.memory_space<vmem>>) offsets(%dma_start3A_19 : memref<104xi32, #tpu.memory_space<vmem>>) semaphore(%arg12 : memref<!tpu.dma_semaphore, #tpu.memory_space<semaphore_mem>>)
    %dma_wait3A_23 = arith.constant 104 : i32
    %dma_wait3A_24 = tpu.memref_slice %arg6[%dma_wait3A_23] : memref<10192xi32, #tpu.memory_space<vmem>> -> memref<104xi32, #tpu.memory_space<vmem>>
    %dma_wait3A_25 = arith.constant 0 : i32
    %dma_wait3A_26 = arith.constant 0 : i32
    %dma_wait3A_27 = tpu.memref_slice %arg2[%dma_wait3A_25, %dma_wait3A_26] : memref<20480x128xf32, #tpu.memory_space<hbm>> -> memref<20480x128xf32, #tpu.memory_space<hbm>>
    tpu.wait_indirect_dma semaphore(%arg12 : memref<!tpu.dma_semaphore, #tpu.memory_space<semaphore_mem>>) src(%dma_wait3A_27 : memref<20480x128xf32, #tpu.memory_space<hbm>>) dst(%arg9 : memref<104x128xf32, #tpu.memory_space<vmem>>)
    %dma_start3A_28 = arith.constant 104 : i32
    %dma_start3A_29 = tpu.memref_slice %arg7[%dma_start3A_28] : memref<10192xi32, #tpu.memory_space<vmem>> -> memref<104xi32, #tpu.memory_space<vmem>>
    %dma_start3A_30 = arith.constant 0 : i32
    %dma_start3A_31 = arith.constant 0 : i32
    %dma_start3A_32 = tpu.memref_slice %arg10[%dma_start3A_30, %dma_start3A_31] : memref<10240x128xf32, #tpu.memory_space<vmem_shared>> -> memref<10240x128xf32, #tpu.memory_space<vmem_shared>>
    tpu.enqueue_indirect_dma source(%arg9 : memref<104x128xf32, #tpu.memory_space<vmem>>) target(%dma_start3A_32 : memref<10240x128xf32, #tpu.memory_space<vmem_shared>>) offsets(%dma_start3A_29 : memref<104xi32, #tpu.memory_space<vmem>>) semaphore(%arg14 : memref<!tpu.dma_semaphore, #tpu.memory_space<semaphore_mem>>) {add = true}
    %dma_wait3A_33 = arith.constant 0 : i32
    %dma_wait3A_34 = tpu.memref_slice %arg7[%dma_wait3A_33] : memref<10192xi32, #tpu.memory_space<vmem>> -> memref<104xi32, #tpu.memory_space<vmem>>
    %dma_wait3A_35 = arith.constant 0 : i32
    %dma_wait3A_36 = arith.constant 0 : i32
    %dma_wait3A_37 = tpu.memref_slice %arg10[%dma_wait3A_35, %dma_wait3A_36] : memref<10240x128xf32, #tpu.memory_space<vmem_shared>> -> memref<10240x128xf32, #tpu.memory_space<vmem_shared>>
    tpu.wait_indirect_dma semaphore(%arg13 : memref<!tpu.dma_semaphore, #tpu.memory_space<semaphore_mem>>) src(%arg8 : memref<104x128xf32, #tpu.memory_space<vmem>>) dst(%dma_wait3A_37 : memref<10240x128xf32, #tpu.memory_space<vmem_shared>>)
    %dma_start3A_38 = arith.constant 208 : i32
    %dma_start3A_39 = tpu.memref_slice %arg6[%dma_start3A_38] : memref<10192xi32, #tpu.memory_space<vmem>> -> memref<104xi32, #tpu.memory_space<vmem>>
    %dma_start3A_40 = arith.constant 0 : i32
    %dma_start3A_41 = arith.constant 0 : i32
    %dma_start3A_42 = tpu.memref_slice %arg2[%dma_start3A_40, %dma_start3A_41] : memref<20480x128xf32, #tpu.memory_space<hbm>> -> memref<20480x128xf32, #tpu.memory_space<hbm>>
    tpu.enqueue_indirect_dma source(%dma_start3A_42 : memref<20480x128xf32, #tpu.memory_space<hbm>>) target(%arg8 : memref<104x128xf32, #tpu.memory_space<vmem>>) offsets(%dma_start3A_39 : memref<104xi32, #tpu.memory_space<vmem>>) semaphore(%arg11 : memref<!tpu.dma_semaphore, #tpu.memory_space<semaphore_mem>>)
    %scan3A = arith.constant 0 : i32
    %scan3A_43 = arith.constant 1 : i32
    %scan3A_44 = arith.constant 47 : i32
    %scan3A_45 = arith.addi %scan3A_43, %scan3A_44 : i32
    %scan3A_46 = arith.constant 1 : i32
    scf.for %scan3A_93 = %scan3A_43 to %scan3A_45 step %scan3A_46  : i32 {
      %mul3A_94 = arith.constant 2 : i32
      %mul3A_95 = arith.muli %mul3A_94, %scan3A_93 : i32
      %mul3A_96 = arith.constant 104 : i32
      %mul3A_97 = arith.muli %mul3A_95, %mul3A_96 : i32
      %dma_wait3A_98 = tpu.memref_slice %arg6[%mul3A_97] : memref<10192xi32, #tpu.memory_space<vmem>> -> memref<104xi32, #tpu.memory_space<vmem>>
      %dma_wait3A_99 = arith.constant 0 : i32
      %dma_wait3A_100 = arith.constant 0 : i32
      %dma_wait3A_101 = tpu.memref_slice %arg2[%dma_wait3A_99, %dma_wait3A_100] : memref<20480x128xf32, #tpu.memory_space<hbm>> -> memref<20480x128xf32, #tpu.memory_space<hbm>>
      tpu.wait_indirect_dma semaphore(%arg11 : memref<!tpu.dma_semaphore, #tpu.memory_space<semaphore_mem>>) src(%dma_wait3A_101 : memref<20480x128xf32, #tpu.memory_space<hbm>>) dst(%arg8 : memref<104x128xf32, #tpu.memory_space<vmem>>)
      %mul3A_102 = arith.constant 104 : i32
      %mul3A_103 = arith.muli %mul3A_95, %mul3A_102 : i32
      %dma_start3A_104 = tpu.memref_slice %arg7[%mul3A_103] : memref<10192xi32, #tpu.memory_space<vmem>> -> memref<104xi32, #tpu.memory_space<vmem>>
      %dma_start3A_105 = arith.constant 0 : i32
      %dma_start3A_106 = arith.constant 0 : i32
      %dma_start3A_107 = tpu.memref_slice %arg10[%dma_start3A_105, %dma_start3A_106] : memref<10240x128xf32, #tpu.memory_space<vmem_shared>> -> memref<10240x128xf32, #tpu.memory_space<vmem_shared>>
      tpu.enqueue_indirect_dma source(%arg8 : memref<104x128xf32, #tpu.memory_space<vmem>>) target(%dma_start3A_107 : memref<10240x128xf32, #tpu.memory_space<vmem_shared>>) offsets(%dma_start3A_104 : memref<104xi32, #tpu.memory_space<vmem>>) semaphore(%arg13 : memref<!tpu.dma_semaphore, #tpu.memory_space<semaphore_mem>>) {add = true}
      %sub3A = arith.constant 1 : i32
      %sub3A_108 = arith.subi %mul3A_95, %sub3A : i32
      %mul3A_109 = arith.constant 104 : i32
      %mul3A_110 = arith.muli %sub3A_108, %mul3A_109 : i32
      %dma_wait3A_111 = tpu.memref_slice %arg7[%mul3A_110] : memref<10192xi32, #tpu.memory_space<vmem>> -> memref<104xi32, #tpu.memory_space<vmem>>
      %dma_wait3A_112 = arith.constant 0 : i32
      %dma_wait3A_113 = arith.constant 0 : i32
      %dma_wait3A_114 = tpu.memref_slice %arg10[%dma_wait3A_112, %dma_wait3A_113] : memref<10240x128xf32, #tpu.memory_space<vmem_shared>> -> memref<10240x128xf32, #tpu.memory_space<vmem_shared>>
      tpu.wait_indirect_dma semaphore(%arg14 : memref<!tpu.dma_semaphore, #tpu.memory_space<semaphore_mem>>) src(%arg9 : memref<104x128xf32, #tpu.memory_space<vmem>>) dst(%dma_wait3A_114 : memref<10240x128xf32, #tpu.memory_space<vmem_shared>>)
      %add3A_115 = arith.constant 1 : i32
      %add3A_116 = arith.addi %mul3A_95, %add3A_115 : i32
      %mul3A_117 = arith.constant 104 : i32
      %mul3A_118 = arith.muli %add3A_116, %mul3A_117 : i32
      %dma_start3A_119 = tpu.memref_slice %arg6[%mul3A_118] : memref<10192xi32, #tpu.memory_space<vmem>> -> memref<104xi32, #tpu.memory_space<vmem>>
      %dma_start3A_120 = arith.constant 0 : i32
      %dma_start3A_121 = arith.constant 0 : i32
      %dma_start3A_122 = tpu.memref_slice %arg2[%dma_start3A_120, %dma_start3A_121] : memref<20480x128xf32, #tpu.memory_space<hbm>> -> memref<20480x128xf32, #tpu.memory_space<hbm>>
      tpu.enqueue_indirect_dma source(%dma_start3A_122 : memref<20480x128xf32, #tpu.memory_space<hbm>>) target(%arg9 : memref<104x128xf32, #tpu.memory_space<vmem>>) offsets(%dma_start3A_119 : memref<104xi32, #tpu.memory_space<vmem>>) semaphore(%arg12 : memref<!tpu.dma_semaphore, #tpu.memory_space<semaphore_mem>>)
      %add3A_123 = arith.constant 1 : i32
      %add3A_124 = arith.addi %mul3A_95, %add3A_123 : i32
      %mul3A_125 = arith.constant 104 : i32
      %mul3A_126 = arith.muli %add3A_124, %mul3A_125 : i32
      %dma_wait3A_127 = tpu.memref_slice %arg6[%mul3A_126] : memref<10192xi32, #tpu.memory_space<vmem>> -> memref<104xi32, #tpu.memory_space<vmem>>
      %dma_wait3A_128 = arith.constant 0 : i32
      %dma_wait3A_129 = arith.constant 0 : i32
      %dma_wait3A_130 = tpu.memref_slice %arg2[%dma_wait3A_128, %dma_wait3A_129] : memref<20480x128xf32, #tpu.memory_space<hbm>> -> memref<20480x128xf32, #tpu.memory_space<hbm>>
      tpu.wait_indirect_dma semaphore(%arg12 : memref<!tpu.dma_semaphore, #tpu.memory_space<semaphore_mem>>) src(%dma_wait3A_130 : memref<20480x128xf32, #tpu.memory_space<hbm>>) dst(%arg9 : memref<104x128xf32, #tpu.memory_space<vmem>>)
      %add3A_131 = arith.constant 1 : i32
      %add3A_132 = arith.addi %mul3A_95, %add3A_131 : i32
      %mul3A_133 = arith.constant 104 : i32
      %mul3A_134 = arith.muli %add3A_132, %mul3A_133 : i32
      %dma_start3A_135 = tpu.memref_slice %arg7[%mul3A_134] : memref<10192xi32, #tpu.memory_space<vmem>> -> memref<104xi32, #tpu.memory_space<vmem>>
      %dma_start3A_136 = arith.constant 0 : i32
      %dma_start3A_137 = arith.constant 0 : i32
      %dma_start3A_138 = tpu.memref_slice %arg10[%dma_start3A_136, %dma_start3A_137] : memref<10240x128xf32, #tpu.memory_space<vmem_shared>> -> memref<10240x128xf32, #tpu.memory_space<vmem_shared>>
      tpu.enqueue_indirect_dma source(%arg9 : memref<104x128xf32, #tpu.memory_space<vmem>>) target(%dma_start3A_138 : memref<10240x128xf32, #tpu.memory_space<vmem_shared>>) offsets(%dma_start3A_135 : memref<104xi32, #tpu.memory_space<vmem>>) semaphore(%arg14 : memref<!tpu.dma_semaphore, #tpu.memory_space<semaphore_mem>>) {add = true}
      %mul3A_139 = arith.constant 104 : i32
      %mul3A_140 = arith.muli %mul3A_95, %mul3A_139 : i32
      %dma_wait3A_141 = tpu.memref_slice %arg7[%mul3A_140] : memref<10192xi32, #tpu.memory_space<vmem>> -> memref<104xi32, #tpu.memory_space<vmem>>
      %dma_wait3A_142 = arith.constant 0 : i32
      %dma_wait3A_143 = arith.constant 0 : i32
      %dma_wait3A_144 = tpu.memref_slice %arg10[%dma_wait3A_142, %dma_wait3A_143] : memref<10240x128xf32, #tpu.memory_space<vmem_shared>> -> memref<10240x128xf32, #tpu.memory_space<vmem_shared>>
      tpu.wait_indirect_dma semaphore(%arg13 : memref<!tpu.dma_semaphore, #tpu.memory_space<semaphore_mem>>) src(%arg8 : memref<104x128xf32, #tpu.memory_space<vmem>>) dst(%dma_wait3A_144 : memref<10240x128xf32, #tpu.memory_space<vmem_shared>>)
      %add3A_145 = arith.constant 2 : i32
      %add3A_146 = arith.addi %mul3A_95, %add3A_145 : i32
      %mul3A_147 = arith.constant 104 : i32
      %mul3A_148 = arith.muli %add3A_146, %mul3A_147 : i32
      %dma_start3A_149 = tpu.memref_slice %arg6[%mul3A_148] : memref<10192xi32, #tpu.memory_space<vmem>> -> memref<104xi32, #tpu.memory_space<vmem>>
      %dma_start3A_150 = arith.constant 0 : i32
      %dma_start3A_151 = arith.constant 0 : i32
      %dma_start3A_152 = tpu.memref_slice %arg2[%dma_start3A_150, %dma_start3A_151] : memref<20480x128xf32, #tpu.memory_space<hbm>> -> memref<20480x128xf32, #tpu.memory_space<hbm>>
      tpu.enqueue_indirect_dma source(%dma_start3A_152 : memref<20480x128xf32, #tpu.memory_space<hbm>>) target(%arg8 : memref<104x128xf32, #tpu.memory_space<vmem>>) offsets(%dma_start3A_149 : memref<104xi32, #tpu.memory_space<vmem>>) semaphore(%arg11 : memref<!tpu.dma_semaphore, #tpu.memory_space<semaphore_mem>>)
    }
    %scan3A_47 = arith.constant 47 : i32
    %dma_wait3A_48 = arith.constant 9984 : i32
    %dma_wait3A_49 = tpu.memref_slice %arg6[%dma_wait3A_48] : memref<10192xi32, #tpu.memory_space<vmem>> -> memref<104xi32, #tpu.memory_space<vmem>>
    %dma_wait3A_50 = arith.constant 0 : i32
    %dma_wait3A_51 = arith.constant 0 : i32
    %dma_wait3A_52 = tpu.memref_slice %arg2[%dma_wait3A_50, %dma_wait3A_51] : memref<20480x128xf32, #tpu.memory_space<hbm>> -> memref<20480x128xf32, #tpu.memory_space<hbm>>
    tpu.wait_indirect_dma semaphore(%arg11 : memref<!tpu.dma_semaphore, #tpu.memory_space<semaphore_mem>>) src(%dma_wait3A_52 : memref<20480x128xf32, #tpu.memory_space<hbm>>) dst(%arg8 : memref<104x128xf32, #tpu.memory_space<vmem>>)
    %dma_start3A_53 = arith.constant 9984 : i32
    %dma_start3A_54 = tpu.memref_slice %arg7[%dma_start3A_53] : memref<10192xi32, #tpu.memory_space<vmem>> -> memref<104xi32, #tpu.memory_space<vmem>>
    %dma_start3A_55 = arith.constant 0 : i32
    %dma_start3A_56 = arith.constant 0 : i32
    %dma_start3A_57 = tpu.memref_slice %arg10[%dma_start3A_55, %dma_start3A_56] : memref<10240x128xf32, #tpu.memory_space<vmem_shared>> -> memref<10240x128xf32, #tpu.memory_space<vmem_shared>>
    tpu.enqueue_indirect_dma source(%arg8 : memref<104x128xf32, #tpu.memory_space<vmem>>) target(%dma_start3A_57 : memref<10240x128xf32, #tpu.memory_space<vmem_shared>>) offsets(%dma_start3A_54 : memref<104xi32, #tpu.memory_space<vmem>>) semaphore(%arg13 : memref<!tpu.dma_semaphore, #tpu.memory_space<semaphore_mem>>) {add = true}
    %dma_wait3A_58 = arith.constant 9880 : i32
    %dma_wait3A_59 = tpu.memref_slice %arg7[%dma_wait3A_58] : memref<10192xi32, #tpu.memory_space<vmem>> -> memref<104xi32, #tpu.memory_space<vmem>>
    %dma_wait3A_60 = arith.constant 0 : i32
    %dma_wait3A_61 = arith.constant 0 : i32
    %dma_wait3A_62 = tpu.memref_slice %arg10[%dma_wait3A_60, %dma_wait3A_61] : memref<10240x128xf32, #tpu.memory_space<vmem_shared>> -> memref<10240x128xf32, #tpu.memory_space<vmem_shared>>
    tpu.wait_indirect_dma semaphore(%arg14 : memref<!tpu.dma_semaphore, #tpu.memory_space<semaphore_mem>>) src(%arg9 : memref<104x128xf32, #tpu.memory_space<vmem>>) dst(%dma_wait3A_62 : memref<10240x128xf32, #tpu.memory_space<vmem_shared>>)
    %dma_start3A_63 = arith.constant 10088 : i32
    %dma_start3A_64 = tpu.memref_slice %arg6[%dma_start3A_63] : memref<10192xi32, #tpu.memory_space<vmem>> -> memref<104xi32, #tpu.memory_space<vmem>>
    %dma_start3A_65 = arith.constant 0 : i32
    %dma_start3A_66 = arith.constant 0 : i32
    %dma_start3A_67 = tpu.memref_slice %arg2[%dma_start3A_65, %dma_start3A_66] : memref<20480x128xf32, #tpu.memory_space<hbm>> -> memref<20480x128xf32, #tpu.memory_space<hbm>>
    tpu.enqueue_indirect_dma source(%dma_start3A_67 : memref<20480x128xf32, #tpu.memory_space<hbm>>) target(%arg9 : memref<104x128xf32, #tpu.memory_space<vmem>>) offsets(%dma_start3A_64 : memref<104xi32, #tpu.memory_space<vmem>>) semaphore(%arg12 : memref<!tpu.dma_semaphore, #tpu.memory_space<semaphore_mem>>)
    %dma_wait3A_68 = arith.constant 10088 : i32
    %dma_wait3A_69 = tpu.memref_slice %arg6[%dma_wait3A_68] : memref<10192xi32, #tpu.memory_space<vmem>> -> memref<104xi32, #tpu.memory_space<vmem>>
    %dma_wait3A_70 = arith.constant 0 : i32
    %dma_wait3A_71 = arith.constant 0 : i32
    %dma_wait3A_72 = tpu.memref_slice %arg2[%dma_wait3A_70, %dma_wait3A_71] : memref<20480x128xf32, #tpu.memory_space<hbm>> -> memref<20480x128xf32, #tpu.memory_space<hbm>>
    tpu.wait_indirect_dma semaphore(%arg12 : memref<!tpu.dma_semaphore, #tpu.memory_space<semaphore_mem>>) src(%dma_wait3A_72 : memref<20480x128xf32, #tpu.memory_space<hbm>>) dst(%arg9 : memref<104x128xf32, #tpu.memory_space<vmem>>)
    %dma_start3A_73 = arith.constant 10088 : i32
    %dma_start3A_74 = tpu.memref_slice %arg7[%dma_start3A_73] : memref<10192xi32, #tpu.memory_space<vmem>> -> memref<104xi32, #tpu.memory_space<vmem>>
    %dma_start3A_75 = arith.constant 0 : i32
    %dma_start3A_76 = arith.constant 0 : i32
    %dma_start3A_77 = tpu.memref_slice %arg10[%dma_start3A_75, %dma_start3A_76] : memref<10240x128xf32, #tpu.memory_space<vmem_shared>> -> memref<10240x128xf32, #tpu.memory_space<vmem_shared>>
    tpu.enqueue_indirect_dma source(%arg9 : memref<104x128xf32, #tpu.memory_space<vmem>>) target(%dma_start3A_77 : memref<10240x128xf32, #tpu.memory_space<vmem_shared>>) offsets(%dma_start3A_74 : memref<104xi32, #tpu.memory_space<vmem>>) semaphore(%arg14 : memref<!tpu.dma_semaphore, #tpu.memory_space<semaphore_mem>>) {add = true}
    %dma_wait3A_78 = arith.constant 9984 : i32
    %dma_wait3A_79 = tpu.memref_slice %arg7[%dma_wait3A_78] : memref<10192xi32, #tpu.memory_space<vmem>> -> memref<104xi32, #tpu.memory_space<vmem>>
    %dma_wait3A_80 = arith.constant 0 : i32
    %dma_wait3A_81 = arith.constant 0 : i32
    %dma_wait3A_82 = tpu.memref_slice %arg10[%dma_wait3A_80, %dma_wait3A_81] : memref<10240x128xf32, #tpu.memory_space<vmem_shared>> -> memref<10240x128xf32, #tpu.memory_space<vmem_shared>>
    tpu.wait_indirect_dma semaphore(%arg13 : memref<!tpu.dma_semaphore, #tpu.memory_space<semaphore_mem>>) src(%arg8 : memref<104x128xf32, #tpu.memory_space<vmem>>) dst(%dma_wait3A_82 : memref<10240x128xf32, #tpu.memory_space<vmem_shared>>)
    %dma_wait3A_83 = arith.constant 10088 : i32
    %dma_wait3A_84 = tpu.memref_slice %arg7[%dma_wait3A_83] : memref<10192xi32, #tpu.memory_space<vmem>> -> memref<104xi32, #tpu.memory_space<vmem>>
    %dma_wait3A_85 = arith.constant 0 : i32
    %dma_wait3A_86 = arith.constant 0 : i32
    %dma_wait3A_87 = tpu.memref_slice %arg10[%dma_wait3A_85, %dma_wait3A_86] : memref<10240x128xf32, #tpu.memory_space<vmem_shared>> -> memref<10240x128xf32, #tpu.memory_space<vmem_shared>>
    tpu.wait_indirect_dma semaphore(%arg14 : memref<!tpu.dma_semaphore, #tpu.memory_space<semaphore_mem>>) src(%arg9 : memref<104x128xf32, #tpu.memory_space<vmem>>) dst(%dma_wait3A_87 : memref<10240x128xf32, #tpu.memory_space<vmem_shared>>)
    %barrier3A_88 = arith.constant 0 : index
    tpu.barrier barrier_id(%barrier3A_88)
    %mul3A_89 = arith.constant 640 : i32
    %mul3A_90 = arith.muli %arg1, %mul3A_89 : i32
    %mul3A_91 = arith.constant 640 : i32
    %mul3A_92 = arith.muli %arg1, %mul3A_91 : i32
    "tpu.region"() ({
      %run_scoped3A = tpu.sem_alloc : memref<!tpu.dma_semaphore, #tpu.memory_space<semaphore_mem>>
      %dma_start3A_93 = arith.constant 0 : i32
      %dma_start3A_94 = tpu.memref_slice %arg5[%arg0, %mul3A_92, %dma_start3A_93] : memref<2x10240x128xf32, #tpu.memory_space<hbm>> -> memref<1x640x128xf32, #tpu.memory_space<hbm>>
      %dma_start3A_95 = tpu.memref_squeeze %dma_start3A_94 : memref<1x640x128xf32, #tpu.memory_space<hbm>> -> memref<640x128xf32, #tpu.memory_space<hbm>>
      %dma_start3A_96 = arith.constant 0 : i32
      %dma_start3A_97 = tpu.memref_slice %arg10[%mul3A_90, %dma_start3A_96] : memref<10240x128xf32, #tpu.memory_space<vmem_shared>> -> memref<640x128xf32, #tpu.memory_space<vmem_shared>>
      tpu.enqueue_dma source(%dma_start3A_97 : memref<640x128xf32, #tpu.memory_space<vmem_shared>>) target(%dma_start3A_95 : memref<640x128xf32, #tpu.memory_space<hbm>>) target_semaphore(%run_scoped3A : memref<!tpu.dma_semaphore, #tpu.memory_space<semaphore_mem>>)
      %dma_wait3A_98 = arith.constant 0 : i32
      %dma_wait3A_99 = tpu.memref_slice %arg5[%arg0, %mul3A_92, %dma_wait3A_98] : memref<2x10240x128xf32, #tpu.memory_space<hbm>> -> memref<1x640x128xf32, #tpu.memory_space<hbm>>
      %dma_wait3A_100 = tpu.memref_squeeze %dma_wait3A_99 : memref<1x640x128xf32, #tpu.memory_space<hbm>> -> memref<640x128xf32, #tpu.memory_space<hbm>>
      %dma_wait3A_101 = arith.constant 0 : i32
      %dma_wait3A_102 = tpu.memref_slice %arg10[%mul3A_90, %dma_wait3A_101] : memref<10240x128xf32, #tpu.memory_space<vmem_shared>> -> memref<640x128xf32, #tpu.memory_space<vmem_shared>>
      tpu.wait_dma2 semaphore(%run_scoped3A : memref<!tpu.dma_semaphore, #tpu.memory_space<semaphore_mem>>) src(%dma_wait3A_102 : memref<640x128xf32, #tpu.memory_space<vmem_shared>>) dst(%dma_wait3A_100 : memref<640x128xf32, #tpu.memory_space<hbm>>)
      tpu.yield
    }) : () -> ()
    return
  }
}

module attributes {stable_mosaic.version = 14 : i64} {
  func.func @_tc_layer_body(%arg0: memref<2x10240x128xf32, #tpu.memory_space<vmem>>, %arg1: memref<256x256xf32, #tpu.memory_space<vmem>>, %arg2: memref<1x256xf32, #tpu.memory_space<vmem>>, %arg3: memref<256x256xf32, #tpu.memory_space<vmem>>, %arg4: memref<1x256xf32, #tpu.memory_space<vmem>>, %arg5: memref<1x256xf32, #tpu.memory_space<vmem>>, %arg6: memref<1x256xf32, #tpu.memory_space<vmem>>, %arg7: memref<1x256xf32, #tpu.memory_space<vmem>>, %arg8: memref<1x256xf32, #tpu.memory_space<vmem>>, %arg9: memref<2x10240x128xf32, #tpu.memory_space<vmem>>) attributes {dimension_semantics = [], scalar_prefetch = 0 : i64, scratch_operands = 0 : i64, tpu.core_type = #tpu.core_type<tc>} {
    %get3A = arith.constant 0 : index
    %get3A_0 = arith.constant 0 : index
    %get3A_1 = arith.constant 0 : index
    %get3A_2 = vector.load %arg0[%get3A, %get3A_0, %get3A_1] : memref<2x10240x128xf32, #tpu.memory_space<vmem>>, vector<1x10000x128xf32>
    %get3A_3 = vector.shape_cast %get3A_2 : vector<1x10000x128xf32> to vector<10000x128xf32>
    %get3A_4 = arith.constant 1 : index
    %get3A_5 = arith.constant 0 : index
    %get3A_6 = arith.constant 0 : index
    %get3A_7 = vector.load %arg0[%get3A_4, %get3A_5, %get3A_6] : memref<2x10240x128xf32, #tpu.memory_space<vmem>>, vector<1x10000x128xf32>
    %get3A_8 = vector.shape_cast %get3A_7 : vector<1x10000x128xf32> to vector<10000x128xf32>
    %concatenate3A = tpu.concatenate %get3A_3, %get3A_8 in 1 : vector<10000x128xf32>, vector<10000x128xf32> -> vector<10000x256xf32>
    %get3A_9 = arith.constant 0 : index
    %get3A_10 = arith.constant 0 : index
    %get3A_11 = vector.load %arg1[%get3A_9, %get3A_10] : memref<256x256xf32, #tpu.memory_space<vmem>>, vector<256x256xf32>
    %dot_general3A = arith.constant dense<0.000000e+00> : vector<10000x256xf32>
    %dot_general3A_12 = tpu.matmul %concatenate3A, %get3A_11, %dot_general3A {dimension_numbers = #tpu.dot_dimension_numbers<[1], [0], [0], [1], [0, 0, 1, 1], [], []>, transpose_lhs_hint = false} : vector<10000x256xf32>, vector<256x256xf32>, vector<10000x256xf32> -> vector<10000x256xf32>
    %get3A_13 = arith.constant 0 : index
    %get3A_14 = arith.constant 0 : index
    %get3A_15 = vector.load %arg2[%get3A_13, %get3A_14] : memref<1x256xf32, #tpu.memory_space<vmem>>, vector<1x256xf32>
    %add3A = vector.broadcast %get3A_15 : vector<1x256xf32> to vector<10000x256xf32>
    %add3A_16 = arith.addf %dot_general3A_12, %add3A : vector<10000x256xf32>
    %max3A = arith.constant 0.000000e+00 : f32
    %max3A_17 = vector.broadcast %max3A : f32 to vector<10000x256xf32>
    %max3A_18 = arith.maximumf %add3A_16, %max3A_17 : vector<10000x256xf32>
    %get3A_19 = arith.constant 0 : index
    %get3A_20 = arith.constant 0 : index
    %get3A_21 = vector.load %arg3[%get3A_19, %get3A_20] : memref<256x256xf32, #tpu.memory_space<vmem>>, vector<256x256xf32>
    %dot_general3A_22 = arith.constant dense<0.000000e+00> : vector<10000x256xf32>
    %dot_general3A_23 = tpu.matmul %max3A_18, %get3A_21, %dot_general3A_22 {dimension_numbers = #tpu.dot_dimension_numbers<[1], [0], [0], [1], [0, 0, 1, 1], [], []>, transpose_lhs_hint = false} : vector<10000x256xf32>, vector<256x256xf32>, vector<10000x256xf32> -> vector<10000x256xf32>
    %get3A_24 = arith.constant 0 : index
    %get3A_25 = arith.constant 0 : index
    %get3A_26 = vector.load %arg4[%get3A_24, %get3A_25] : memref<1x256xf32, #tpu.memory_space<vmem>>, vector<1x256xf32>
    %add3A_27 = vector.broadcast %get3A_26 : vector<1x256xf32> to vector<10000x256xf32>
    %add3A_28 = arith.addf %dot_general3A_23, %add3A_27 : vector<10000x256xf32>
    %get3A_29 = arith.constant 0 : index
    %get3A_30 = arith.constant 0 : index
    %get3A_31 = vector.load %arg5[%get3A_29, %get3A_30] : memref<1x256xf32, #tpu.memory_space<vmem>>, vector<1x256xf32>
    %get3A_32 = arith.constant 0 : index
    %get3A_33 = arith.constant 0 : index
    %get3A_34 = vector.load %arg6[%get3A_32, %get3A_33] : memref<1x256xf32, #tpu.memory_space<vmem>>, vector<1x256xf32>
    %reduce_sum3A = arith.constant dense<0.000000e+00> : vector<256xf32>
    %reduce_sum3A_35 = vector.multi_reduction <add>, %add3A_28, %reduce_sum3A [0] : vector<10000x256xf32> to vector<256xf32>
    %broadcast_in_dim3A = vector.shape_cast %reduce_sum3A_35 : vector<256xf32> to vector<1x256xf32>
    %div3A = arith.constant 1.000000e+04 : f32
    %div3A_36 = vector.broadcast %div3A : f32 to vector<1x256xf32>
    %div3A_37 = arith.divf %broadcast_in_dim3A, %div3A_36 : vector<1x256xf32>
    %sub3A = vector.broadcast %div3A_37 : vector<1x256xf32> to vector<10000x256xf32>
    %sub3A_38 = arith.subf %add3A_28, %sub3A : vector<10000x256xf32>
    %sub3A_39 = vector.broadcast %div3A_37 : vector<1x256xf32> to vector<10000x256xf32>
    %sub3A_40 = arith.subf %add3A_28, %sub3A_39 : vector<10000x256xf32>
    %mul3A = arith.mulf %sub3A_38, %sub3A_40 : vector<10000x256xf32>
    %reduce_sum3A_41 = arith.constant dense<0.000000e+00> : vector<256xf32>
    %reduce_sum3A_42 = vector.multi_reduction <add>, %mul3A, %reduce_sum3A_41 [0] : vector<10000x256xf32> to vector<256xf32>
    %broadcast_in_dim3A_43 = vector.shape_cast %reduce_sum3A_42 : vector<256xf32> to vector<1x256xf32>
    %div3A_44 = arith.constant 1.000000e+04 : f32
    %div3A_45 = vector.broadcast %div3A_44 : f32 to vector<1x256xf32>
    %div3A_46 = arith.divf %broadcast_in_dim3A_43, %div3A_45 : vector<1x256xf32>
    %sub3A_47 = vector.broadcast %div3A_37 : vector<1x256xf32> to vector<10000x256xf32>
    %sub3A_48 = arith.subf %add3A_28, %sub3A_47 : vector<10000x256xf32>
    %add3A_49 = arith.constant 9.99999974E-6 : f32
    %add3A_50 = vector.broadcast %add3A_49 : f32 to vector<1x256xf32>
    %add3A_51 = arith.addf %div3A_46, %add3A_50 : vector<1x256xf32>
    %rsqrt3A = math.rsqrt %add3A_51 : vector<1x256xf32>
    %mul3A_52 = vector.broadcast %rsqrt3A : vector<1x256xf32> to vector<10000x256xf32>
    %mul3A_53 = arith.mulf %sub3A_48, %mul3A_52 : vector<10000x256xf32>
    %mul3A_54 = vector.broadcast %get3A_31 : vector<1x256xf32> to vector<10000x256xf32>
    %mul3A_55 = arith.mulf %mul3A_53, %mul3A_54 : vector<10000x256xf32>
    %add3A_56 = vector.broadcast %get3A_34 : vector<1x256xf32> to vector<10000x256xf32>
    %add3A_57 = arith.addf %mul3A_55, %add3A_56 : vector<10000x256xf32>
    %get3A_58 = arith.constant 0 : index
    %get3A_59 = arith.constant 0 : index
    %get3A_60 = vector.load %arg7[%get3A_58, %get3A_59] : memref<1x256xf32, #tpu.memory_space<vmem>>, vector<1x256xf32>
    %get3A_61 = arith.constant 0 : index
    %get3A_62 = arith.constant 0 : index
    %get3A_63 = vector.load %arg8[%get3A_61, %get3A_62] : memref<1x256xf32, #tpu.memory_space<vmem>>, vector<1x256xf32>
    %reduce_sum3A_64 = arith.constant dense<0.000000e+00> : vector<256xf32>
    %reduce_sum3A_65 = vector.multi_reduction <add>, %add3A_57, %reduce_sum3A_64 [0] : vector<10000x256xf32> to vector<256xf32>
    %broadcast_in_dim3A_66 = vector.shape_cast %reduce_sum3A_65 : vector<256xf32> to vector<1x256xf32>
    %div3A_67 = arith.constant 1.000000e+04 : f32
    %div3A_68 = vector.broadcast %div3A_67 : f32 to vector<1x256xf32>
    %div3A_69 = arith.divf %broadcast_in_dim3A_66, %div3A_68 : vector<1x256xf32>
    %sub3A_70 = vector.broadcast %div3A_69 : vector<1x256xf32> to vector<10000x256xf32>
    %sub3A_71 = arith.subf %add3A_57, %sub3A_70 : vector<10000x256xf32>
    %sub3A_72 = vector.broadcast %div3A_69 : vector<1x256xf32> to vector<10000x256xf32>
    %sub3A_73 = arith.subf %add3A_57, %sub3A_72 : vector<10000x256xf32>
    %mul3A_74 = arith.mulf %sub3A_71, %sub3A_73 : vector<10000x256xf32>
    %reduce_sum3A_75 = arith.constant dense<0.000000e+00> : vector<256xf32>
    %reduce_sum3A_76 = vector.multi_reduction <add>, %mul3A_74, %reduce_sum3A_75 [0] : vector<10000x256xf32> to vector<256xf32>
    %broadcast_in_dim3A_77 = vector.shape_cast %reduce_sum3A_76 : vector<256xf32> to vector<1x256xf32>
    %div3A_78 = arith.constant 1.000000e+04 : f32
    %div3A_79 = vector.broadcast %div3A_78 : f32 to vector<1x256xf32>
    %div3A_80 = arith.divf %broadcast_in_dim3A_77, %div3A_79 : vector<1x256xf32>
    %sub3A_81 = vector.broadcast %div3A_69 : vector<1x256xf32> to vector<10000x256xf32>
    %sub3A_82 = arith.subf %add3A_57, %sub3A_81 : vector<10000x256xf32>
    %add3A_83 = arith.constant 9.99999974E-6 : f32
    %add3A_84 = vector.broadcast %add3A_83 : f32 to vector<1x256xf32>
    %add3A_85 = arith.addf %div3A_80, %add3A_84 : vector<1x256xf32>
    %rsqrt3A_86 = math.rsqrt %add3A_85 : vector<1x256xf32>
    %mul3A_87 = vector.broadcast %rsqrt3A_86 : vector<1x256xf32> to vector<10000x256xf32>
    %mul3A_88 = arith.mulf %sub3A_82, %mul3A_87 : vector<10000x256xf32>
    %mul3A_89 = vector.broadcast %get3A_60 : vector<1x256xf32> to vector<10000x256xf32>
    %mul3A_90 = arith.mulf %mul3A_88, %mul3A_89 : vector<10000x256xf32>
    %add3A_91 = vector.broadcast %get3A_63 : vector<1x256xf32> to vector<10000x256xf32>
    %add3A_92 = arith.addf %mul3A_90, %add3A_91 : vector<10000x256xf32>
    %max3A_93 = arith.constant 0.000000e+00 : f32
    %max3A_94 = vector.broadcast %max3A_93 : f32 to vector<10000x256xf32>
    %max3A_95 = arith.maximumf %add3A_92, %max3A_94 : vector<10000x256xf32>
    %slice3A = vector.extract_strided_slice %max3A_95 {offsets = [0, 0], sizes = [10000, 128], strides = [1, 1]} : vector<10000x256xf32> to vector<10000x128xf32>
    %swap3A = arith.constant 0 : index
    %swap3A_96 = arith.constant 0 : index
    %swap3A_97 = arith.constant 0 : index
    %swap3A_98 = vector.load %arg9[%swap3A, %swap3A_96, %swap3A_97] : memref<2x10240x128xf32, #tpu.memory_space<vmem>>, vector<1x10000x128xf32>
    %swap3A_99 = vector.shape_cast %swap3A_98 : vector<1x10000x128xf32> to vector<10000x128xf32>
    %swap3A_100 = vector.shape_cast %slice3A : vector<10000x128xf32> to vector<1x10000x128xf32>
    tpu.vector_store %arg9[%swap3A, %swap3A_96, %swap3A_97], %swap3A_100 {strides = array<i32>} : memref<2x10240x128xf32, #tpu.memory_space<vmem>>, vector<1x10000x128xf32>,
    %slice3A_101 = vector.extract_strided_slice %max3A_95 {offsets = [0, 128], sizes = [10000, 128], strides = [1, 1]} : vector<10000x256xf32> to vector<10000x128xf32>
    %swap3A_102 = arith.constant 1 : index
    %swap3A_103 = arith.constant 0 : index
    %swap3A_104 = arith.constant 0 : index
    %swap3A_105 = vector.load %arg9[%swap3A_102, %swap3A_103, %swap3A_104] : memref<2x10240x128xf32, #tpu.memory_space<vmem>>, vector<1x10000x128xf32>
    %swap3A_106 = vector.shape_cast %swap3A_105 : vector<1x10000x128xf32> to vector<10000x128xf32>
    %swap3A_107 = vector.shape_cast %slice3A_101 : vector<10000x128xf32> to vector<1x10000x128xf32>
    tpu.vector_store %arg9[%swap3A_102, %swap3A_103, %swap3A_104], %swap3A_107 {strides = array<i32>} : memref<2x10240x128xf32, #tpu.memory_space<vmem>>, vector<1x10000x128xf32>,
    %broadcast_in_dim3A_108 = arith.constant 0.000000e+00 : f32
    %broadcast_in_dim3A_109 = vector.broadcast %broadcast_in_dim3A_108 : f32 to vector<240x128xf32>
    %swap3A_110 = arith.constant 0 : index
    %swap3A_111 = arith.constant 10000 : index
    %swap3A_112 = arith.constant 0 : index
    %swap3A_113 = vector.load %arg9[%swap3A_110, %swap3A_111, %swap3A_112] : memref<2x10240x128xf32, #tpu.memory_space<vmem>>, vector<1x240x128xf32>
    %swap3A_114 = vector.shape_cast %swap3A_113 : vector<1x240x128xf32> to vector<240x128xf32>
    %swap3A_115 = vector.shape_cast %broadcast_in_dim3A_109 : vector<240x128xf32> to vector<1x240x128xf32>
    tpu.vector_store %arg9[%swap3A_110, %swap3A_111, %swap3A_112], %swap3A_115 {strides = array<i32>} : memref<2x10240x128xf32, #tpu.memory_space<vmem>>, vector<1x240x128xf32>,
    %broadcast_in_dim3A_116 = arith.constant 0.000000e+00 : f32
    %broadcast_in_dim3A_117 = vector.broadcast %broadcast_in_dim3A_116 : f32 to vector<240x128xf32>
    %swap3A_118 = arith.constant 1 : index
    %swap3A_119 = arith.constant 10000 : index
    %swap3A_120 = arith.constant 0 : index
    %swap3A_121 = vector.load %arg9[%swap3A_118, %swap3A_119, %swap3A_120] : memref<2x10240x128xf32, #tpu.memory_space<vmem>>, vector<1x240x128xf32>
    %swap3A_122 = vector.shape_cast %swap3A_121 : vector<1x240x128xf32> to vector<240x128xf32>
    %swap3A_123 = vector.shape_cast %broadcast_in_dim3A_117 : vector<240x128xf32> to vector<1x240x128xf32>
    tpu.vector_store %arg9[%swap3A_118, %swap3A_119, %swap3A_120], %swap3A_123 {strides = array<i32>} : memref<2x10240x128xf32, #tpu.memory_space<vmem>>, vector<1x240x128xf32>,
    return
  }
}

module attributes {stable_mosaic.version = 14 : i64} {
  func.func @_tc_final_body(%arg0: memref<2x10240x128xf32, #tpu.memory_space<vmem>>, %arg1: memref<256x256xf32, #tpu.memory_space<vmem>>, %arg2: memref<1x256xf32, #tpu.memory_space<vmem>>, %arg3: memref<256x256xf32, #tpu.memory_space<vmem>>, %arg4: memref<1x256xf32, #tpu.memory_space<vmem>>, %arg5: memref<1x256xf32, #tpu.memory_space<vmem>>, %arg6: memref<1x256xf32, #tpu.memory_space<vmem>>, %arg7: memref<1x256xf32, #tpu.memory_space<vmem>>, %arg8: memref<1x256xf32, #tpu.memory_space<vmem>>, %arg9: memref<256x256xf32, #tpu.memory_space<vmem>>, %arg10: memref<1x256xf32, #tpu.memory_space<vmem>>, %arg11: memref<10000x256xf32, #tpu.memory_space<vmem>>) attributes {dimension_semantics = [], scalar_prefetch = 0 : i64, scratch_operands = 0 : i64, tpu.core_type = #tpu.core_type<tc>} {
    %get3A = arith.constant 0 : index
    %get3A_0 = arith.constant 0 : index
    %get3A_1 = arith.constant 0 : index
    %get3A_2 = vector.load %arg0[%get3A, %get3A_0, %get3A_1] : memref<2x10240x128xf32, #tpu.memory_space<vmem>>, vector<1x10000x128xf32>
    %get3A_3 = vector.shape_cast %get3A_2 : vector<1x10000x128xf32> to vector<10000x128xf32>
    %get3A_4 = arith.constant 1 : index
    %get3A_5 = arith.constant 0 : index
    %get3A_6 = arith.constant 0 : index
    %get3A_7 = vector.load %arg0[%get3A_4, %get3A_5, %get3A_6] : memref<2x10240x128xf32, #tpu.memory_space<vmem>>, vector<1x10000x128xf32>
    %get3A_8 = vector.shape_cast %get3A_7 : vector<1x10000x128xf32> to vector<10000x128xf32>
    %concatenate3A = tpu.concatenate %get3A_3, %get3A_8 in 1 : vector<10000x128xf32>, vector<10000x128xf32> -> vector<10000x256xf32>
    %get3A_9 = arith.constant 0 : index
    %get3A_10 = arith.constant 0 : index
    %get3A_11 = vector.load %arg1[%get3A_9, %get3A_10] : memref<256x256xf32, #tpu.memory_space<vmem>>, vector<256x256xf32>
    %dot_general3A = arith.constant dense<0.000000e+00> : vector<10000x256xf32>
    %dot_general3A_12 = tpu.matmul %concatenate3A, %get3A_11, %dot_general3A {dimension_numbers = #tpu.dot_dimension_numbers<[1], [0], [0], [1], [0, 0, 1, 1], [], []>, transpose_lhs_hint = false} : vector<10000x256xf32>, vector<256x256xf32>, vector<10000x256xf32> -> vector<10000x256xf32>
    %get3A_13 = arith.constant 0 : index
    %get3A_14 = arith.constant 0 : index
    %get3A_15 = vector.load %arg2[%get3A_13, %get3A_14] : memref<1x256xf32, #tpu.memory_space<vmem>>, vector<1x256xf32>
    %add3A = vector.broadcast %get3A_15 : vector<1x256xf32> to vector<10000x256xf32>
    %add3A_16 = arith.addf %dot_general3A_12, %add3A : vector<10000x256xf32>
    %max3A = arith.constant 0.000000e+00 : f32
    %max3A_17 = vector.broadcast %max3A : f32 to vector<10000x256xf32>
    %max3A_18 = arith.maximumf %add3A_16, %max3A_17 : vector<10000x256xf32>
    %get3A_19 = arith.constant 0 : index
    %get3A_20 = arith.constant 0 : index
    %get3A_21 = vector.load %arg3[%get3A_19, %get3A_20] : memref<256x256xf32, #tpu.memory_space<vmem>>, vector<256x256xf32>
    %dot_general3A_22 = arith.constant dense<0.000000e+00> : vector<10000x256xf32>
    %dot_general3A_23 = tpu.matmul %max3A_18, %get3A_21, %dot_general3A_22 {dimension_numbers = #tpu.dot_dimension_numbers<[1], [0], [0], [1], [0, 0, 1, 1], [], []>, transpose_lhs_hint = false} : vector<10000x256xf32>, vector<256x256xf32>, vector<10000x256xf32> -> vector<10000x256xf32>
    %get3A_24 = arith.constant 0 : index
    %get3A_25 = arith.constant 0 : index
    %get3A_26 = vector.load %arg4[%get3A_24, %get3A_25] : memref<1x256xf32, #tpu.memory_space<vmem>>, vector<1x256xf32>
    %add3A_27 = vector.broadcast %get3A_26 : vector<1x256xf32> to vector<10000x256xf32>
    %add3A_28 = arith.addf %dot_general3A_23, %add3A_27 : vector<10000x256xf32>
    %get3A_29 = arith.constant 0 : index
    %get3A_30 = arith.constant 0 : index
    %get3A_31 = vector.load %arg5[%get3A_29, %get3A_30] : memref<1x256xf32, #tpu.memory_space<vmem>>, vector<1x256xf32>
    %get3A_32 = arith.constant 0 : index
    %get3A_33 = arith.constant 0 : index
    %get3A_34 = vector.load %arg6[%get3A_32, %get3A_33] : memref<1x256xf32, #tpu.memory_space<vmem>>, vector<1x256xf32>
    %reduce_sum3A = arith.constant dense<0.000000e+00> : vector<256xf32>
    %reduce_sum3A_35 = vector.multi_reduction <add>, %add3A_28, %reduce_sum3A [0] : vector<10000x256xf32> to vector<256xf32>
    %broadcast_in_dim3A = vector.shape_cast %reduce_sum3A_35 : vector<256xf32> to vector<1x256xf32>
    %div3A = arith.constant 1.000000e+04 : f32
    %div3A_36 = vector.broadcast %div3A : f32 to vector<1x256xf32>
    %div3A_37 = arith.divf %broadcast_in_dim3A, %div3A_36 : vector<1x256xf32>
    %sub3A = vector.broadcast %div3A_37 : vector<1x256xf32> to vector<10000x256xf32>
    %sub3A_38 = arith.subf %add3A_28, %sub3A : vector<10000x256xf32>
    %sub3A_39 = vector.broadcast %div3A_37 : vector<1x256xf32> to vector<10000x256xf32>
    %sub3A_40 = arith.subf %add3A_28, %sub3A_39 : vector<10000x256xf32>
    %mul3A = arith.mulf %sub3A_38, %sub3A_40 : vector<10000x256xf32>
    %reduce_sum3A_41 = arith.constant dense<0.000000e+00> : vector<256xf32>
    %reduce_sum3A_42 = vector.multi_reduction <add>, %mul3A, %reduce_sum3A_41 [0] : vector<10000x256xf32> to vector<256xf32>
    %broadcast_in_dim3A_43 = vector.shape_cast %reduce_sum3A_42 : vector<256xf32> to vector<1x256xf32>
    %div3A_44 = arith.constant 1.000000e+04 : f32
    %div3A_45 = vector.broadcast %div3A_44 : f32 to vector<1x256xf32>
    %div3A_46 = arith.divf %broadcast_in_dim3A_43, %div3A_45 : vector<1x256xf32>
    %sub3A_47 = vector.broadcast %div3A_37 : vector<1x256xf32> to vector<10000x256xf32>
    %sub3A_48 = arith.subf %add3A_28, %sub3A_47 : vector<10000x256xf32>
    %add3A_49 = arith.constant 9.99999974E-6 : f32
    %add3A_50 = vector.broadcast %add3A_49 : f32 to vector<1x256xf32>
    %add3A_51 = arith.addf %div3A_46, %add3A_50 : vector<1x256xf32>
    %rsqrt3A = math.rsqrt %add3A_51 : vector<1x256xf32>
    %mul3A_52 = vector.broadcast %rsqrt3A : vector<1x256xf32> to vector<10000x256xf32>
    %mul3A_53 = arith.mulf %sub3A_48, %mul3A_52 : vector<10000x256xf32>
    %mul3A_54 = vector.broadcast %get3A_31 : vector<1x256xf32> to vector<10000x256xf32>
    %mul3A_55 = arith.mulf %mul3A_53, %mul3A_54 : vector<10000x256xf32>
    %add3A_56 = vector.broadcast %get3A_34 : vector<1x256xf32> to vector<10000x256xf32>
    %add3A_57 = arith.addf %mul3A_55, %add3A_56 : vector<10000x256xf32>
    %get3A_58 = arith.constant 0 : index
    %get3A_59 = arith.constant 0 : index
    %get3A_60 = vector.load %arg7[%get3A_58, %get3A_59] : memref<1x256xf32, #tpu.memory_space<vmem>>, vector<1x256xf32>
    %get3A_61 = arith.constant 0 : index
    %get3A_62 = arith.constant 0 : index
    %get3A_63 = vector.load %arg8[%get3A_61, %get3A_62] : memref<1x256xf32, #tpu.memory_space<vmem>>, vector<1x256xf32>
    %reduce_sum3A_64 = arith.constant dense<0.000000e+00> : vector<256xf32>
    %reduce_sum3A_65 = vector.multi_reduction <add>, %add3A_57, %reduce_sum3A_64 [0] : vector<10000x256xf32> to vector<256xf32>
    %broadcast_in_dim3A_66 = vector.shape_cast %reduce_sum3A_65 : vector<256xf32> to vector<1x256xf32>
    %div3A_67 = arith.constant 1.000000e+04 : f32
    %div3A_68 = vector.broadcast %div3A_67 : f32 to vector<1x256xf32>
    %div3A_69 = arith.divf %broadcast_in_dim3A_66, %div3A_68 : vector<1x256xf32>
    %sub3A_70 = vector.broadcast %div3A_69 : vector<1x256xf32> to vector<10000x256xf32>
    %sub3A_71 = arith.subf %add3A_57, %sub3A_70 : vector<10000x256xf32>
    %sub3A_72 = vector.broadcast %div3A_69 : vector<1x256xf32> to vector<10000x256xf32>
    %sub3A_73 = arith.subf %add3A_57, %sub3A_72 : vector<10000x256xf32>
    %mul3A_74 = arith.mulf %sub3A_71, %sub3A_73 : vector<10000x256xf32>
    %reduce_sum3A_75 = arith.constant dense<0.000000e+00> : vector<256xf32>
    %reduce_sum3A_76 = vector.multi_reduction <add>, %mul3A_74, %reduce_sum3A_75 [0] : vector<10000x256xf32> to vector<256xf32>
    %broadcast_in_dim3A_77 = vector.shape_cast %reduce_sum3A_76 : vector<256xf32> to vector<1x256xf32>
    %div3A_78 = arith.constant 1.000000e+04 : f32
    %div3A_79 = vector.broadcast %div3A_78 : f32 to vector<1x256xf32>
    %div3A_80 = arith.divf %broadcast_in_dim3A_77, %div3A_79 : vector<1x256xf32>
    %sub3A_81 = vector.broadcast %div3A_69 : vector<1x256xf32> to vector<10000x256xf32>
    %sub3A_82 = arith.subf %add3A_57, %sub3A_81 : vector<10000x256xf32>
    %add3A_83 = arith.constant 9.99999974E-6 : f32
    %add3A_84 = vector.broadcast %add3A_83 : f32 to vector<1x256xf32>
    %add3A_85 = arith.addf %div3A_80, %add3A_84 : vector<1x256xf32>
    %rsqrt3A_86 = math.rsqrt %add3A_85 : vector<1x256xf32>
    %mul3A_87 = vector.broadcast %rsqrt3A_86 : vector<1x256xf32> to vector<10000x256xf32>
    %mul3A_88 = arith.mulf %sub3A_82, %mul3A_87 : vector<10000x256xf32>
    %mul3A_89 = vector.broadcast %get3A_60 : vector<1x256xf32> to vector<10000x256xf32>
    %mul3A_90 = arith.mulf %mul3A_88, %mul3A_89 : vector<10000x256xf32>
    %add3A_91 = vector.broadcast %get3A_63 : vector<1x256xf32> to vector<10000x256xf32>
    %add3A_92 = arith.addf %mul3A_90, %add3A_91 : vector<10000x256xf32>
    %max3A_93 = arith.constant 0.000000e+00 : f32
    %max3A_94 = vector.broadcast %max3A_93 : f32 to vector<10000x256xf32>
    %max3A_95 = arith.maximumf %add3A_92, %max3A_94 : vector<10000x256xf32>
    %get3A_96 = arith.constant 0 : index
    %get3A_97 = arith.constant 0 : index
    %get3A_98 = vector.load %arg9[%get3A_96, %get3A_97] : memref<256x256xf32, #tpu.memory_space<vmem>>, vector<256x256xf32>
    %dot_general3A_99 = arith.constant dense<0.000000e+00> : vector<10000x256xf32>
    %dot_general3A_100 = tpu.matmul %max3A_95, %get3A_98, %dot_general3A_99 {dimension_numbers = #tpu.dot_dimension_numbers<[1], [0], [0], [1], [0, 0, 1, 1], [], []>, transpose_lhs_hint = false} : vector<10000x256xf32>, vector<256x256xf32>, vector<10000x256xf32> -> vector<10000x256xf32>
    %get3A_101 = arith.constant 0 : index
    %get3A_102 = arith.constant 0 : index
    %get3A_103 = vector.load %arg10[%get3A_101, %get3A_102] : memref<1x256xf32, #tpu.memory_space<vmem>>, vector<1x256xf32>
    %add3A_104 = vector.broadcast %get3A_103 : vector<1x256xf32> to vector<10000x256xf32>
    %add3A_105 = arith.addf %dot_general3A_100, %add3A_104 : vector<10000x256xf32>
    %reduce_max3A = arith.constant dense<0xFF800000> : vector<10000xf32>
    %reduce_max3A_106 = vector.multi_reduction <maximumf>, %add3A_105, %reduce_max3A [1] : vector<10000x256xf32> to vector<10000xf32>
    %broadcast_in_dim3A_107 = vector.shape_cast %reduce_max3A_106 : vector<10000xf32> to vector<10000x1xf32>
    %sub3A_108 = vector.broadcast %broadcast_in_dim3A_107 : vector<10000x1xf32> to vector<10000x256xf32>
    %sub3A_109 = arith.subf %add3A_105, %sub3A_108 : vector<10000x256xf32>
    %exp3A = math.exp %sub3A_109 : vector<10000x256xf32>
    %reduce_sum3A_110 = arith.constant dense<0.000000e+00> : vector<10000xf32>
    %reduce_sum3A_111 = vector.multi_reduction <add>, %exp3A, %reduce_sum3A_110 [1] : vector<10000x256xf32> to vector<10000xf32>
    %broadcast_in_dim3A_112 = vector.shape_cast %reduce_sum3A_111 : vector<10000xf32> to vector<10000x1xf32>
    %log3A = math.log %broadcast_in_dim3A_112 : vector<10000x1xf32>
    %sub3A_113 = vector.broadcast %log3A : vector<10000x1xf32> to vector<10000x256xf32>
    %sub3A_114 = arith.subf %sub3A_109, %sub3A_113 : vector<10000x256xf32>
    %swap3A = arith.constant 0 : index
    %swap3A_115 = arith.constant 0 : index
    %swap3A_116 = vector.load %arg11[%swap3A, %swap3A_115] : memref<10000x256xf32, #tpu.memory_space<vmem>>, vector<10000x256xf32>
    tpu.vector_store %arg11[%swap3A, %swap3A_115], %sub3A_114 {strides = array<i32>} : memref<10000x256xf32, #tpu.memory_space<vmem>>, vector<10000x256xf32>,
    return
  }
}

</mosaic_0001>

<sc_bundles>
// kernel: kernel.11.cloned.1.call-start
scs
__scs_entry_jumppad:
0x0: {  	(pc) =	sbr.rel $0x88, $3  }
0x1: {  	(tag) =	ssettag $0x0;
	lr =	simm.s32 $0x1  }
0x2: {  	[smem:$0x3F85] =	sst lr;
	_ =	strace $0xD0000000  }
0x3: {  	_ = 	snop  }
0x4: {  	_ = 	snop  }
0x5: {  	_ = 	snop  }
0x6: {  	_ = 	snop  }
0x7: {  	_ = 	snop  }
__scs_overlays_trampoline_lowered:
0x8: {  	[smem:$0x3F94] =	sst s0  }
0x9: {  	[smem:$0x3F95] =	sst s1  }
0xa: {  	[smem:$0x3F96] =	sst s2  }
0xb: {  	[smem:$0x3F97] =	sst s3  }
0xc: {  	[smem:$0x3F98] =	sst s4  }
0xd: {  	[smem:$0x3F99] =	sst s5  }
0xe: {  	[smem:$0x3F9A] =	sst s6  }
0xf: {  	[smem:$0x3F9B] =	sst s7  }
0x10: {  	[smem:$0x3F9C] =	sst s8  }
0x11: {  	[smem:$0x3F9D] =	sst s9;
	s0 =	simm.s32 @!p0 $0x0  }
0x12: {  	s1 =	sld [smem:$0x3F83];
	s0 =	simm.s32 @p0 $0x1  }
0x13: {  	[smem:$0x3F9E] =	sst s0;
	s0 =	simm.s32 @!p1 $0x0  }
0x14: {  	s2 =	sld [smem:$0x3F82];
	s0 =	simm.s32 @p1 $0x1  }
0x15: {  	[smem:$0x3F9F] =	sst s0;
	s0 =	simm.s32 @!p2 $0x0  }
0x16: {  	s3 =	sld [smem:$0x3FDB];
	s0 =	simm.s32 @p2 $0x1  }
0x17: {  	s4 =	simm.s32 $0x1BF5;
	[smem:$0x3FA1] =	sst s0  }
0x18: {  	s0 =	sld [smem:$0x3F84];
	_ =	swait.ge [sflag:s4], $0x0  }
0x19: {  	s7 =	sld [smem:$0x3F85]  }
0x1a: {  	s8 =	sadd.s32 $0xFFFFE003, lr  }
0x1b: {  	s9 =	sadd.s32 $0xFFFFFEF7, lr;
	s5 =	simm.s32 $0xFFFFFFFF;
	p2 =	slt.u32 s8, $0xFFFFF086  }
0x1c: {  	p1 =	slt.u32 s9, $0xF7A;
	s5 =	simm.s32 @!p2 $0x0  }
0x1d: {  	s5 =	simm.s32 @p1 $0x1;
	p0 =	seq.s32 s7, s2  }
0x1e: {  	s7 =	smul.u32 @!p0 $0xF7A, s2;
	p2 =	seq.s32 @!p0 s5, $0x0  }
0x1f: {  	s9 =	smul.u32 $0xF7A, s1;
	s8 =	simm.s32 @!p0 $0x1BF5;
	p2 =	por !p2, p0  }
0x20: {  	[sflag:s8] =	ssyncset.s32 @!p0 $0xFFFFF086;
	s6 =	sadd.s32 @!p0 s3, s7;
	s7 =	simm.s32 @!p0 $0x108  }
0x21: {  	s3 =	sadd.s32 s3, s9;
	s6 =	sadd.s32 @!p0 $0x88, s6;
	s7 =	simm.s32 @p2 $0x1082  }
0x22: {  	[simem:s7], [sflag:s8] =	dma.local @!p0 [hbm:s6], $0xF7A  }
0x23: {  	s9 =	sor.u32 $0xD0000000, s2;
	s6 =	simm.s32 $0x108;
	_ =	swait.ge @!p0 [sflag:s8], $0x0  }
0x24: {  	s3 =	sadd.s32 $0x88, s3;
	s6 =	simm.s32 @!p1 $0x1082;
	[sflag:s4] =	ssyncset.s32 $0xFFFFF086  }
0x25: {  	[simem:s6], [sflag:s4] =	dma.local [hbm:s3], $0xF7A  }
0x26: {  	[smem:$0x3F85] =	sst s1;
	(tag) =	ssettag s2;
	_ =	strace s9  }
0x27: {  	s1 =	sld [smem:$0x3F95]  }
0x28: {  	s2 =	sld [smem:$0x3F96]  }
0x29: {  	s4 =	sld [smem:$0x3F98]  }
0x2a: {  	p0 =	seq.s32 s5, $0x0;
	s5 =	sld [smem:$0x3F99]  }
0x2b: {  	s6 =	sld [smem:$0x3F9A]  }
0x2c: {  	s7 =	sld [smem:$0x3F9B]  }
0x2d: {  	s3 =	simm.s32 $0x108;
	s8 =	sld [smem:$0x3F9C]  }
0x2e: {  	s3 =	simm.s32 @!p0 $0x1082;
	s9 =	sld [smem:$0x3F9D]  }
0x2f: {  	lr =	sadd.s32 s0, s3;
	s0 =	sld [smem:$0x3F94]  }
0x30: {  	s3 =	sld [smem:$0x3F97]  }
0x31: {  	[smem:$0x3FA0] =	sst s10  }
0x32: {  	s10 =	sld [smem:$0x3F9E];
	_ =	sdelay $0x3  }
0x33: {  	p0 =	seq.s32 s10, $0x1;
	s10 =	sld [smem:$0x3FA0];
	_ =	sdelay $0x3  }
0x34: {  	[smem:$0x3FA0] =	sst s10  }
0x35: {  	s10 =	sld [smem:$0x3F9F];
	_ =	sdelay $0x3  }
0x36: {  	p1 =	seq.s32 s10, $0x1;
	s10 =	sld [smem:$0x3FA0];
	_ =	sdelay $0x3  }
0x37: {  	[smem:$0x3FA0] =	sst s10  }
0x38: {  	s10 =	sld [smem:$0x3FA1]  }
0x39: {  	_ = 	snop;
	(pc) =	sbr.ind lr, $3  }
0x3a: {  	_ = 	snop  }
0x3b: {  	_ = 	snop  }
0x3c: {  	p2 =	seq.s32 s10, $0x1;
	s10 =	sld [smem:$0x3FA0]  }
0x3d: {  	_ =	shalt  }
0x3e: {  	_ =	shalt  }
0x3f: {  	_ =	shalt  }
0x40: {  	_ =	shalt  }
0x41: {  	_ =	shalt  }
0x42: {  	_ =	shalt  }
0x43: {  	_ =	shalt  }
0x44: {  	_ =	shalt  }
0x45: {  	_ =	shalt  }
0x46: {  	_ =	shalt  }
0x47: {  	_ =	shalt  }
0x48: {  	_ =	shalt  }
0x49: {  	_ =	shalt  }
0x4a: {  	_ =	shalt  }
0x4b: {  	_ =	shalt  }
0x4c: {  	_ =	shalt  }
0x4d: {  	_ =	shalt  }
0x4e: {  	_ =	shalt  }
0x4f: {  	_ =	shalt  }
0x50: {  	_ =	shalt  }
0x51: {  	_ =	shalt  }
0x52: {  	_ =	shalt  }
0x53: {  	_ =	shalt  }
0x54: {  	_ =	shalt  }
0x55: {  	_ =	shalt  }
0x56: {  	_ =	shalt  }
0x57: {  	_ =	shalt  }
0x58: {  	_ =	shalt  }
0x59: {  	_ =	shalt  }
0x5a: {  	_ =	shalt  }
0x5b: {  	_ =	shalt  }
0x5c: {  	_ =	shalt  }
0x5d: {  	_ =	shalt  }
0x5e: {  	_ =	shalt  }
0x5f: {  	_ =	shalt  }
0x60: {  	_ =	shalt  }
0x61: {  	_ =	shalt  }
0x62: {  	_ =	shalt  }
0x63: {  	_ =	shalt  }
0x64: {  	_ =	shalt  }
0x65: {  	_ =	shalt  }
0x66: {  	_ =	shalt  }
0x67: {  	_ =	shalt  }
0x68: {  	_ =	shalt  }
0x69: {  	_ =	shalt  }
0x6a: {  	_ =	shalt  }
0x6b: {  	_ =	shalt  }
0x6c: {  	_ =	shalt  }
0x6d: {  	_ =	shalt  }
0x6e: {  	_ =	shalt  }
0x6f: {  	_ =	shalt  }
0x70: {  	_ =	shalt  }
0x71: {  	_ =	shalt  }
0x72: {  	_ =	shalt  }
0x73: {  	_ =	shalt  }
0x74: {  	_ =	shalt  }
0x75: {  	_ =	shalt  }
0x76: {  	_ =	shalt  }
0x77: {  	_ =	shalt  }
0x78: {  	_ =	shalt  }
0x79: {  	_ =	shalt  }
0x7a: {  	_ =	shalt  }
0x7b: {  	_ =	shalt  }
0x7c: {  	_ =	shalt  }
0x7d: {  	_ =	shalt  }
0x7e: {  	_ =	shalt  }
0x7f: {  	_ =	shalt  }
0x80: {  	_ =	shalt  }
0x81: {  	_ =	shalt  }
0x82: {  	_ =	shalt  }
0x83: {  	_ =	shalt  }
0x84: {  	_ =	shalt  }
0x85: {  	_ =	shalt  }
0x86: {  	_ =	shalt  }
0x87: {  	_ =	shalt  }
.Lfunc_end0:
.L_simem_size_0:
called_computation.1_lowered:
.L_overlay_start_0:
0x88: {  	s2 =	sld [smem:$0x3FD9]  }
0x89: {  	s3 =	sld [smem:$0x3FFE];
	_ =	sdelay $0x1  }
0x8a: {  	s1 =	srdreg.scid  }
0x8b: {  	s0 =	sand.u32 $0x1, s1  }
0x8c: {  	s17 =	sshll.u32 s0, $0xA;
	s2 =	sadd.s32 s3, s2  }
0x8d: {  	s2 =	sadd.s32 s2, s17  }
0x8e: {  	[smem:$0x3FAC] =	sst s2  }
0x8f: {  	_ = 	snop  }
0x90: {  	s2 =	sld [smem:$0x3FD0];
	(tm) =	ssettm $0x1  }
0x91: {  	s18 =	sld [smem:$0x3FFB];
	_ =	sdelay $0x3  }
0x92: {  	_ =	strace s18  }
0x93: {  	s3 =	sld [smem:$0x3FFC];
	_ =	sdelay $0x3  }
0x94: {  	_ =	strace s3  }
0x95: {  	s3 =	sld [smem:$0x3FFD];
	_ =	sdelay $0x3  }
0x96: {  	_ =	strace s3  }
0x97: {  	_ =	strace $0x8FFFFFFF  }
0x98: {  	s19 =	sld [smem:$0x3FDB];
	_ =	sdelay $0x1  }
0x99: {  	s4 =	simm.s32 $_scs_section_size  }
0x9a: {  	s5 =	simm.s32 $_size__tile_overlayer_lowered;
	s6 =	simm.s32 $_tile_overlayer_lowered  }
0x9b: {  	s22 =	simm.s32 $0x1BFF;
	s21 =	sshll.u32 s6, $0x1;
	s3 =	sadd.s32 s4, s19  }
0x9c: {  	s7 =	simm.s32 $0x0;
	s20 =	sshll.u32 s5, $0x1;
	s5 =	sadd.s32 s21, s3  }
0x9d: {  	[timem:s7], [sflag:s22] =	dma.local [hbm:s5], s20  }
0x9e: {  	_ =	swait.ge [sflag:s22], s20  }
0x9f: {  	s4 =	ssub.s32 $0x0, s20;
	[sflag:s22] =	ssyncset.done $0x0  }
0xa0: {  	[sflag:s22] =	ssyncadd.s32 s4;
	_ =	sdelay $0x1  }
0xa1: {  	s23 =	simm.s32 $0x1B8B  }
0xa2: {  	_ =	swait.ge [sflag:s23], $0x1  }
0xa3: {  	[sflag:s23] =	ssyncset.done $0x0  }
0xa4: {  	s25 =	simm.s32 $0x1B8E;
	s24 =	sld [smem:$0x3FFE];
	[sflag:s23] =	ssyncadd.s32 $0xFFFFFFFF  }
0xa5: {  	s26 =	simm.s32 $execute0_lowered;
	[smem:$0x3FD2] =	sst s25  }
0xa6: {  	s5 =	sshll.u32 s26, $0x1;
	_ =	strace $0x80000049;
	[dreg:$0x1] =	wrdreg $0xFFFFFFFF  }
0xa7: {  	s28 =	simm.s32 $_size_execute0_lowered;
	s3 =	sadd.s32 s3, s5;
	[dreg:$0x0] =	wrdreg $0x0  }
0xa8: {  	s5 =	sshll.u32 s28, $0x1;
	[dreg:$0x2] =	wrdreg s3  }
0xa9: {  	[dreg:$0x3] =	wrdreg s5  }
0xaa: {  	[dreg:$0x4] =	wrdreg $0xC0  }
0xab: {  	_ =	task [dreg:s7], $0x5FFFF  }
0xac: {  	[dreg:$0x1] =	wrdreg $0xFFFFFFFF  }
0xad: {  	[dreg:$0x0] =	wrdreg $0x60  }
0xae: {  	[dreg:$0x2] =	wrdreg s24  }
0xaf: {  	[dreg:$0x3] =	wrdreg s2  }
0xb0: {  	[dreg:$0x4] =	wrdreg $0xB8000  }
0xb1: {  	[dreg:$0x5] =	wrdreg $0x9  }
0xb2: {  	_ =	task.clear_ibuf [dreg:s7], $0x6FFFF;
	_ =	strace $0x90000049  }
0xb3: {  	s29 =	simm.s32 $0x9;
	_ =	strace $0x8000004B  }
0xb4: {  	_ =	swait.ge [sflag:s29], $0x1  }
0xb5: {  	[sflag:s29] =	ssyncadd.s32 $0xFFFFFFFF  }
0xb6: {  	_ =	strace $0x9000004B  }
0xb7: {  	_ =	sfence  }
0xb8: {  	s30 =	sld [smem:$0x0];
	_ =	sdelay $0x2  }
0xb9: {  	s31 =	sshll.u32 s1, $0xD;
	s1 =	sshrl.u32 s1, $0x2  }
0xba: {  	s3 =	sand.u32 $0x4000, s31;
	s1 =	sadd.s32 s1, s30  }
0xbb: {  	s0 =	sor.u32 s3, s0;
	s1 =	sshll.u32 s1, $0x11  }
0xbc: {  	s0 =	sor.u32 s1, s0  }
0xbd: {  	s0 =	sadd.s32 $0x8F2B, s0  }
0xbe: {  	[sflag:s0] =	ssyncadd.remote.s32 $0x1  }
0xbf: {  	_ =	sfence.sel $0xFFFF  }
0xc0: {  	[dreg:$0x0] =	wrdreg $0xFFFFFFFF;
	(pc) =	sbr.abs _section_cstart, $3  }
0xc1: {  	[dreg:$0x1] =	wrdreg $0xFFFFFFFF  }
0xc2: {  	_ =	task.clear_ibuf [dreg:s7], $0x2FFFF;
	_ =	strace $0x9FFFFFFF  }
0xc3: {  	(tm) =	ssettm $0x7FFFFFFF  }
tec
execute0_lowered:
.L_overlay_start_1:
0x0: {  	(tag) =	ssettag $0x1  }
0x1: {  	s5 =	rddreg [dreg:$0x0]  }
0x2: {  	s7 =	rddreg [dreg:$0x1];
	s0 =	stileid.u32  }
0x3: {  	s2 =	rddreg [dreg:$0x2];
	s4 =	srdreg.scid  }
0x4: {  	s15 =	simm.s32 $0x2800;
	s16 =	simm.s32 $0x68;
	s17 =	simm.s32 $0x5000  }
0x5: {  	s18 =	simm.s32 $0x1;
	s19 =	simm.s32 $0x8400;
	s20 =	simm.s32 $0x2  }
0x6: {  	s21 =	simm.s32 $0x2868;
	s22 =	simm.s32 $0x3;
	s11 =	smul.u32 $0x14000, s0  }
0x7: {  	s28 =	simm.s32 $0x4F68;
	s29 =	simm.s32 $0x0;
	s24 =	smul.u32 $0x50000, s0  }
0x8: {  	s3 =	sshrl.u32 s0, $0x3;
	s8 =	sand.u32 $0x1, s4;
	s14 =	smul.u32 $0x2800, s0  }
0x9: {  	s23 =	sshll.u32 s0, $0x7;
	s4 =	sadd.s32 $0x9A00, s5;
	s6 =	smul.u32 $0x14000, s3  }
0xa: {  	s31 =	sshll.u32 s0, $0x6;
	s3 =	simm.s32 $0x0;
	s9 =	smul.u32 $0x140000, s8  }
0xb: {  	s10 =	sand.u32 $0x380, s23;
	s13 =	ssub.s32 $0x2, s8;
	s8 =	smul.u32 $0x28000, s8  }
0xc: {  	s23 =	simm.s32 $0xD0;
	[smem:$0x7FF] =	sst s3;
	s25 =	sshrl.u32 s13, $0x1  }
0xd: {  	_ =	strace $0x8000004A;
	s12 =	sor.u32 s10, s6;
	s9 =	sadd.s32 s11, s9  }
0xe: {  	s11 =	sshrl.u32 s24, $0x2;
	s6 =	sadd.s32 s8, s6;
	s13 =	ssub.s32 s13, s25  }
0xf: {  	s30 =	sadd.s32 s14, s8;
	s14 =	simm.s32 $0x400;
	s24 =	simm.s32 $0x4  }
0x10: {  	s25 =	simm.s32 $0x4F00;
	s12 =	sshrl.u32 s12, $0x3;
	s9 =	sshrl.u32 s9, $0x3  }
0x11: {  	s11 =	sadd.s32 s11, s2;
	s26 =	sor.u32 s10, s6;
	s6 =	sor.u32 $0x1C05, s31  }
0x12: {  	s12 =	sadd.s32 s12, s5;
	s9 =	sadd.s32 s9, s5;
	s10 =	sshrl.u32 s26, $0x3  }
0x13: {  	s5 =	sadd.s32 s4, s30;
	s11 =	sshrl.u32 s11, $0x3;
	s26 =	simm.s32 $0x2768  }
0x14: {  	s7 =	sadd.s32 s7, s10;
	s8 =	sadd.s32 $0x4A00, s12;
	s9 =	sadd.s32 $0x59A00, s9  }
0x15: {  	s10 =	smax.u32 s13, $0x1;
	s12 =	simm.s32 $0x5;
	s13 =	simm.s32 $0x80  }
.LBB2_1:
0x16: {  	[spmem:s11], [sflag:s6] =	dma.local [hbm:s5], $0x2800  }
0x17: {  	_ =	swait.ge [sflag:s12], $0x2800  }
0x18: {  	[sflag:s12] =	ssyncset.done $0x0  }
0x19: {  	[sflag:s12] =	ssyncadd.s32 $0xFFFFD800  }
0x1a: {  	[tilespmem:s3], [sflag:$0x5] =	stream.strided.gather [hbm4b:s7+s13], $0x2800, s14, s13, $0x38;
	[tilespmem:$0x1F800] =	vst v63  }
0x1b: {  	_ =	swait.ge [sflag:s12], $0x2800  }
0x1c: {  	[sflag:s12] =	ssyncset.done $0x0  }
0x1d: {  	[sflag:s12] =	ssyncadd.s32 $0xFFFFD800  }
0x1e: {  	[tilespmem:s15], [sflag:$0x5] =	stream.strided.gather [hbm4b:s8+s13], $0x2800, s14, s13, $0x38;
	[tilespmem:$0x1F800] =	vst v63  }
0x1f: {  	_ =	swait.ge [sflag:s12], $0x2800  }
0x20: {  	[sflag:s12] =	ssyncset.done $0x0  }
0x21: {  	[sflag:s12] =	ssyncadd.s32 $0xFFFFD800  }
0x22: {  	[bflag:$0x0] =	sbarrier.arrive $0xFFFF  }
0x23: {  	[tilespmem:s17], [sflag:$0x1] =	stream.indirect.gather [hbm4b:s4+s16], $0x80, s3, s16, $0xb8;
	[tilespmem:$0x1F800] =	vst v63  }
0x24: {  	_ =	swait.ge [sflag:s18], $0x3400  }
0x25: {  	[sflag:s18] =	ssyncset.done $0x0  }
0x26: {  	[sflag:s18] =	ssyncadd.s32 $0xFFFFCC00  }
0x27: {  	[spmem:s2] =	stream.indirect.scatter.add.f32 [tilespmem:s17], [sflag:$0x3], $0x80, s15, s16, $0xb8;
	[tilespmem:$0x1F800] =	vst v63  }
0x28: {  	_ = 	snop  }
0x29: {  	[tilespmem:s19], [sflag:$0x2] =	stream.indirect.gather [hbm4b:s4+s16], $0x80, s16, s16, $0xb8;
	[tilespmem:$0x1F800] =	vst v63  }
0x2a: {  	_ =	swait.ge [sflag:s20], $0x3400  }
0x2b: {  	[sflag:s20] =	ssyncset.done $0x0  }
0x2c: {  	[sflag:s20] =	ssyncadd.s32 $0xFFFFCC00  }
0x2d: {  	[spmem:s2] =	stream.indirect.scatter.add.f32 [tilespmem:s19], [sflag:$0x4], $0x80, s21, s16, $0xb8;
	[tilespmem:$0x1F800] =	vst v63  }
0x2e: {  	_ =	swait.ge [sflag:s22], $0x3400  }
0x2f: {  	[sflag:s22] =	ssyncset.done $0x0  }
0x30: {  	[sflag:s22] =	ssyncadd.s32 $0xFFFFCC00  }
0x31: {  	[tilespmem:s17], [sflag:$0x1] =	stream.indirect.gather [hbm4b:s4+s16], $0x80, s23, s16, $0xb8;
	[tilespmem:$0x1F800] =	vst v63  }
0x32: {  	_ =	swait.ge [sflag:s18], $0x3400  }
0x33: {  	[sflag:s18] =	ssyncset.done $0x0  }
0x34: {  	s30 =	simm.s32 $0x28D0;
	[sflag:s18] =	ssyncadd.s32 $0xFFFFCC00  }
0x35: {  	[spmem:s2] =	stream.indirect.scatter.add.f32 [tilespmem:s17], [sflag:$0x3], $0x80, s30, s16, $0xb8;
	[tilespmem:$0x1F800] =	vst v63  }
0x36: {  	_ =	swait.ge [sflag:s24], $0x3400  }
0x37: {  	[sflag:s24] =	ssyncset.done $0x0  }
0x38: {  	s30 =	simm.s32 $0x138;
	[sflag:s24] =	ssyncadd.s32 $0xFFFFCC00  }
0x39: {  	[tilespmem:s19], [sflag:$0x2] =	stream.indirect.gather [hbm4b:s4+s16], $0x80, s30, s16, $0xb8;
	[tilespmem:$0x1F800] =	vst v63  }
0x3a: {  	_ =	swait.ge [sflag:s20], $0x3400  }
0x3b: {  	[sflag:s20] =	ssyncset.done $0x0  }
0x3c: {  	s30 =	simm.s32 $0x2938;
	[sflag:s20] =	ssyncadd.s32 $0xFFFFCC00  }
0x3d: {  	[spmem:s2] =	stream.indirect.scatter.add.f32 [tilespmem:s19], [sflag:$0x4], $0x80, s30, s16, $0xb8;
	[tilespmem:$0x1F800] =	vst v63  }
0x3e: {  	_ =	swait.ge [sflag:s22], $0x3400  }
0x3f: {  	[sflag:s22] =	ssyncset.done $0x0  }
0x40: {  	s31 =	simm.s32 $0x1A0;
	s30 =	simm.s32 $0xFFFF6A80;
	[sflag:s22] =	ssyncadd.s32 $0xFFFFCC00  }
.LBB2_2:
0x41: {  	[tilespmem:s17], [sflag:$0x1] =	stream.indirect.gather [hbm4b:s4+s16], $0x80, s31, s16, $0xb8;
	[tilespmem:$0x1F800] =	vst v63  }
0x42: {  	s31 =	smov.u32 s30  }
0x43: {  	p0 =	sne.s32 s30, $0xFFFFFCC0;
	s30 =	sadd.s32 $0x340, s30;
	_ =	swait.ge [sflag:s18], $0x3400  }
0x44: {  	s31 =	sshra.s32 s31, $0x2;
	[sflag:s18] =	ssyncset.done $0x0  }
0x45: {  	s1 =	sadd.s32 $0x4F00, s31;
	[sflag:s18] =	ssyncadd.s32 $0xFFFFCC00  }
0x46: {  	[spmem:s2] =	stream.indirect.scatter.add.f32 [tilespmem:s17], [sflag:$0x3], $0x80, s1, s16, $0xb8;
	[tilespmem:$0x1F800] =	vst v63  }
0x47: {  	_ =	swait.ge [sflag:s24], $0x3400  }
0x48: {  	[sflag:s24] =	ssyncset.done $0x0  }
0x49: {  	s1 =	sadd.s32 $0x2768, s31;
	[sflag:s24] =	ssyncadd.s32 $0xFFFFCC00  }
0x4a: {  	[tilespmem:s19], [sflag:$0x2] =	stream.indirect.gather [hbm4b:s4+s16], $0x80, s1, s16, $0xb8;
	[tilespmem:$0x1F800] =	vst v63  }
0x4b: {  	_ =	swait.ge [sflag:s20], $0x3400  }
0x4c: {  	[sflag:s20] =	ssyncset.done $0x0  }
.Ltmp0:
0x4d: {  	s1 =	sadd.s32 $0x4F68, s31;
	[sflag:s20] =	ssyncadd.s32 $0xFFFFCC00;
	(pc) =	sbr.rel @p0 .LBB2_2-.Ltmp0, $4  }
0x4e: {  	[spmem:s2] =	stream.indirect.scatter.add.f32 [tilespmem:s19], [sflag:$0x4], $0x80, s1, s16, $0xb8;
	[tilespmem:$0x1F800] =	vst v63  }
0x4f: {  	_ =	swait.ge [sflag:s22], $0x3400  }
0x50: {  	[sflag:s22] =	ssyncset.done $0x0  }
0x51: {  	s31 =	sadd.s32 $0x27D0, s31;
	[sflag:s22] =	ssyncadd.s32 $0xFFFFCC00  }
0x52: {  	[tilespmem:s17], [sflag:$0x1] =	stream.indirect.gather [hbm4b:s4+s16], $0x80, s31, s16, $0xb8;
	[tilespmem:$0x1F800] =	vst v63  }
0x53: {  	_ =	swait.ge [sflag:s18], $0x3400  }
0x54: {  	[sflag:s18] =	ssyncset.done $0x0  }
0x55: {  	[sflag:s18] =	ssyncadd.s32 $0xFFFFCC00  }
0x56: {  	[spmem:s2] =	stream.indirect.scatter.add.f32 [tilespmem:s17], [sflag:$0x3], $0x80, s25, s16, $0xb8;
	[tilespmem:$0x1F800] =	vst v63  }
0x57: {  	_ =	swait.ge [sflag:s24], $0x3400  }
0x58: {  	[sflag:s24] =	ssyncset.done $0x0  }
0x59: {  	[sflag:s24] =	ssyncadd.s32 $0xFFFFCC00  }
0x5a: {  	[tilespmem:s19], [sflag:$0x2] =	stream.indirect.gather [hbm4b:s4+s16], $0x80, s26, s16, $0xb8;
	[tilespmem:$0x1F800] =	vst v63  }
0x5b: {  	_ =	swait.ge [sflag:s20], $0x3400  }
0x5c: {  	[sflag:s20] =	ssyncset.done $0x0  }
0x5d: {  	[sflag:s20] =	ssyncadd.s32 $0xFFFFCC00  }
0x5e: {  	[spmem:s2] =	stream.indirect.scatter.add.f32 [tilespmem:s19], [sflag:$0x4], $0x80, s28, s16, $0xb8;
	[tilespmem:$0x1F800] =	vst v63  }
0x5f: {  	_ =	swait.ge [sflag:s22], $0x3400  }
0x60: {  	[sflag:s22] =	ssyncset.done $0x0  }
0x61: {  	[sflag:s22] =	ssyncadd.s32 $0xFFFFCC00  }
0x62: {  	_ =	swait.ge [sflag:s24], $0x3400  }
0x63: {  	s29 =	sadd.s32 $0x1, s29;
	[sflag:s24] =	ssyncset.done $0x0  }
0x64: {  	p0 =	sne.s32 s29, s10;
	[sflag:s24] =	ssyncadd.s32 $0xFFFFCC00  }
.Ltmp1:
0x65: {  	[bflag:$0x0] =	sbarrier.arrive $0xFFFF;
	(pc) =	sbr.rel @p0 .LBB2_1-.Ltmp1, $4  }
0x66: {  	[hbm:s9], [sflag:s6] =	dma.local [spmem:s11], $0x2800  }
0x67: {  	_ =	swait.ge [sflag:s12], $0x2800  }
0x68: {  	[sflag:s12] =	ssyncset.done $0x0  }
0x69: {  	[sflag:s12] =	ssyncadd.s32 $0xFFFFD800  }
0x6a: {  	_ =	sfence.sel $0x180000  }
0x6b: {  	[bflag:$0x0] =	sbarrier.arrive $0xFFFF  }
0x6c: {  	_ =	strace $0x9000004A  }
0x6d: {  	[bflag:$0x2] =	sbarrier.arrive $0xFFFF  }
0x6e: {  	p0 =	sne.s32 s0, $0x0;
	s0 =	rddreg [dreg:$0x3]  }
0x6f: {  	s0 =	sadd.s32 @!p0 $0x100000, s0  }
0x70: {  	[sflag:s0] =	ssyncadd.tile.s32 @!p0 $0x1;
	_ =	shalt  }
.Lfunc_end2:
_tile_overlayer_lowered:
.L_overlay_start_2:
0x71: {  	(tag) =	ssettag $0x2  }
0x72: {  	s0 =	rddreg [dreg:$0x0];
	s2 =	stileid.u32  }
0x73: {  	s1 =	rddreg [dreg:$0x1];
	p0 =	sne.s32 s2, $0x0  }
0x74: {  	s3 =	rddreg [dreg:$0x2];
	[bflag:$0x3] =	sbarrier.arrive $0xFFFF;
	s2 =	simm.s32 @!p0 $0x1C05  }
0x75: {  	[timem:s3], [sflag:s2] =	dma.local @!p0 [hbm:s0], s1  }
0x76: {  	s0 =	simm.s32 @!p0 $0x5  }
0x77: {  	_ =	swait.ge @!p0 [sflag:s0], s1  }
0x78: {  	s1 =	ssub.s32 @!p0 $0x0, s1;
	[sflag:s0] =	ssyncset.done @!p0 $0x0  }
0x79: {  	[sflag:s0] =	ssyncadd.s32 @!p0 s1  }
0x7a: {  	[bflag:$0x3] =	sbarrier.arrive $0xFFFF  }
0x7b: {  	_ =	shalt  }

// kernel: kernel.14.cloned.1.call-start
scs
__scs_entry_jumppad:
0x0: {  	(pc) =	sbr.rel $0x88, $3  }
0x1: {  	(tag) =	ssettag $0x0;
	lr =	simm.s32 $0x1  }
0x2: {  	[smem:$0x3F85] =	sst lr;
	_ =	strace $0xD0000000  }
0x3: {  	_ = 	snop  }
0x4: {  	_ = 	snop  }
0x5: {  	_ = 	snop  }
0x6: {  	_ = 	snop  }
0x7: {  	_ = 	snop  }
__scs_overlays_trampoline_lowered:
0x8: {  	[smem:$0x3F94] =	sst s0  }
0x9: {  	[smem:$0x3F95] =	sst s1  }
0xa: {  	[smem:$0x3F96] =	sst s2  }
0xb: {  	[smem:$0x3F97] =	sst s3  }
0xc: {  	[smem:$0x3F98] =	sst s4  }
0xd: {  	[smem:$0x3F99] =	sst s5  }
0xe: {  	[smem:$0x3F9A] =	sst s6  }
0xf: {  	[smem:$0x3F9B] =	sst s7  }
0x10: {  	[smem:$0x3F9C] =	sst s8  }
0x11: {  	[smem:$0x3F9D] =	sst s9;
	s0 =	simm.s32 @!p0 $0x0  }
0x12: {  	s1 =	sld [smem:$0x3F83];
	s0 =	simm.s32 @p0 $0x1  }
0x13: {  	[smem:$0x3F9E] =	sst s0;
	s0 =	simm.s32 @!p1 $0x0  }
0x14: {  	s2 =	sld [smem:$0x3F82];
	s0 =	simm.s32 @p1 $0x1  }
0x15: {  	[smem:$0x3F9F] =	sst s0;
	s0 =	simm.s32 @!p2 $0x0  }
0x16: {  	s3 =	sld [smem:$0x3FDB];
	s0 =	simm.s32 @p2 $0x1  }
0x17: {  	s4 =	simm.s32 $0x1BF5;
	[smem:$0x3FA1] =	sst s0  }
0x18: {  	s0 =	sld [smem:$0x3F84];
	_ =	swait.ge [sflag:s4], $0x0  }
0x19: {  	s7 =	sld [smem:$0x3F85]  }
0x1a: {  	s8 =	sadd.s32 $0xFFFFE003, lr  }
0x1b: {  	s9 =	sadd.s32 $0xFFFFFEF7, lr;
	s5 =	simm.s32 $0xFFFFFFFF;
	p2 =	slt.u32 s8, $0xFFFFF086  }
0x1c: {  	p1 =	slt.u32 s9, $0xF7A;
	s5 =	simm.s32 @!p2 $0x0  }
0x1d: {  	s5 =	simm.s32 @p1 $0x1;
	p0 =	seq.s32 s7, s2  }
0x1e: {  	s7 =	smul.u32 @!p0 $0xF7A, s2;
	p2 =	seq.s32 @!p0 s5, $0x0  }
0x1f: {  	s9 =	smul.u32 $0xF7A, s1;
	s8 =	simm.s32 @!p0 $0x1BF5;
	p2 =	por !p2, p0  }
0x20: {  	[sflag:s8] =	ssyncset.s32 @!p0 $0xFFFFF086;
	s6 =	sadd.s32 @!p0 s3, s7;
	s7 =	simm.s32 @!p0 $0x108  }
0x21: {  	s3 =	sadd.s32 s3, s9;
	s6 =	sadd.s32 @!p0 $0x88, s6;
	s7 =	simm.s32 @p2 $0x1082  }
0x22: {  	[simem:s7], [sflag:s8] =	dma.local @!p0 [hbm:s6], $0xF7A  }
0x23: {  	s9 =	sor.u32 $0xD0000000, s2;
	s6 =	simm.s32 $0x108;
	_ =	swait.ge @!p0 [sflag:s8], $0x0  }
0x24: {  	s3 =	sadd.s32 $0x88, s3;
	s6 =	simm.s32 @!p1 $0x1082;
	[sflag:s4] =	ssyncset.s32 $0xFFFFF086  }
0x25: {  	[simem:s6], [sflag:s4] =	dma.local [hbm:s3], $0xF7A  }
0x26: {  	[smem:$0x3F85] =	sst s1;
	(tag) =	ssettag s2;
	_ =	strace s9  }
0x27: {  	s1 =	sld [smem:$0x3F95]  }
0x28: {  	s2 =	sld [smem:$0x3F96]  }
0x29: {  	s4 =	sld [smem:$0x3F98]  }
0x2a: {  	p0 =	seq.s32 s5, $0x0;
	s5 =	sld [smem:$0x3F99]  }
0x2b: {  	s6 =	sld [smem:$0x3F9A]  }
0x2c: {  	s7 =	sld [smem:$0x3F9B]  }
0x2d: {  	s3 =	simm.s32 $0x108;
	s8 =	sld [smem:$0x3F9C]  }
0x2e: {  	s3 =	simm.s32 @!p0 $0x1082;
	s9 =	sld [smem:$0x3F9D]  }
0x2f: {  	lr =	sadd.s32 s0, s3;
	s0 =	sld [smem:$0x3F94]  }
0x30: {  	s3 =	sld [smem:$0x3F97]  }
0x31: {  	[smem:$0x3FA0] =	sst s10  }
0x32: {  	s10 =	sld [smem:$0x3F9E];
	_ =	sdelay $0x3  }
0x33: {  	p0 =	seq.s32 s10, $0x1;
	s10 =	sld [smem:$0x3FA0];
	_ =	sdelay $0x3  }
0x34: {  	[smem:$0x3FA0] =	sst s10  }
0x35: {  	s10 =	sld [smem:$0x3F9F];
	_ =	sdelay $0x3  }
0x36: {  	p1 =	seq.s32 s10, $0x1;
	s10 =	sld [smem:$0x3FA0];
	_ =	sdelay $0x3  }
0x37: {  	[smem:$0x3FA0] =	sst s10  }
0x38: {  	s10 =	sld [smem:$0x3FA1]  }
0x39: {  	_ = 	snop;
	(pc) =	sbr.ind lr, $3  }
0x3a: {  	_ = 	snop  }
0x3b: {  	_ = 	snop  }
0x3c: {  	p2 =	seq.s32 s10, $0x1;
	s10 =	sld [smem:$0x3FA0]  }
0x3d: {  	_ =	shalt  }
0x3e: {  	_ =	shalt  }
0x3f: {  	_ =	shalt  }
0x40: {  	_ =	shalt  }
0x41: {  	_ =	shalt  }
0x42: {  	_ =	shalt  }
0x43: {  	_ =	shalt  }
0x44: {  	_ =	shalt  }
0x45: {  	_ =	shalt  }
0x46: {  	_ =	shalt  }
0x47: {  	_ =	shalt  }
0x48: {  	_ =	shalt  }
0x49: {  	_ =	shalt  }
0x4a: {  	_ =	shalt  }
0x4b: {  	_ =	shalt  }
0x4c: {  	_ =	shalt  }
0x4d: {  	_ =	shalt  }
0x4e: {  	_ =	shalt  }
0x4f: {  	_ =	shalt  }
0x50: {  	_ =	shalt  }
0x51: {  	_ =	shalt  }
0x52: {  	_ =	shalt  }
0x53: {  	_ =	shalt  }
0x54: {  	_ =	shalt  }
0x55: {  	_ =	shalt  }
0x56: {  	_ =	shalt  }
0x57: {  	_ =	shalt  }
0x58: {  	_ =	shalt  }
0x59: {  	_ =	shalt  }
0x5a: {  	_ =	shalt  }
0x5b: {  	_ =	shalt  }
0x5c: {  	_ =	shalt  }
0x5d: {  	_ =	shalt  }
0x5e: {  	_ =	shalt  }
0x5f: {  	_ =	shalt  }
0x60: {  	_ =	shalt  }
0x61: {  	_ =	shalt  }
0x62: {  	_ =	shalt  }
0x63: {  	_ =	shalt  }
0x64: {  	_ =	shalt  }
0x65: {  	_ =	shalt  }
0x66: {  	_ =	shalt  }
0x67: {  	_ =	shalt  }
0x68: {  	_ =	shalt  }
0x69: {  	_ =	shalt  }
0x6a: {  	_ =	shalt  }
0x6b: {  	_ =	shalt  }
0x6c: {  	_ =	shalt  }
0x6d: {  	_ =	shalt  }
0x6e: {  	_ =	shalt  }
0x6f: {  	_ =	shalt  }
0x70: {  	_ =	shalt  }
0x71: {  	_ =	shalt  }
0x72: {  	_ =	shalt  }
0x73: {  	_ =	shalt  }
0x74: {  	_ =	shalt  }
0x75: {  	_ =	shalt  }
0x76: {  	_ =	shalt  }
0x77: {  	_ =	shalt  }
0x78: {  	_ =	shalt  }
0x79: {  	_ =	shalt  }
0x7a: {  	_ =	shalt  }
0x7b: {  	_ =	shalt  }
0x7c: {  	_ =	shalt  }
0x7d: {  	_ =	shalt  }
0x7e: {  	_ =	shalt  }
0x7f: {  	_ =	shalt  }
0x80: {  	_ =	shalt  }
0x81: {  	_ =	shalt  }
0x82: {  	_ =	shalt  }
0x83: {  	_ =	shalt  }
0x84: {  	_ =	shalt  }
0x85: {  	_ =	shalt  }
0x86: {  	_ =	shalt  }
0x87: {  	_ =	shalt  }
.Lfunc_end0:
.L_simem_size_0:
called_computation.2_lowered:
.L_overlay_start_0:
0x88: {  	s2 =	sld [smem:$0x3FD9]  }
0x89: {  	s3 =	sld [smem:$0x3FFE];
	_ =	sdelay $0x1  }
0x8a: {  	s1 =	srdreg.scid  }
0x8b: {  	s0 =	sand.u32 $0x1, s1  }
0x8c: {  	s17 =	sshll.u32 s0, $0xA;
	s2 =	sadd.s32 s3, s2  }
0x8d: {  	s2 =	sadd.s32 s2, s17  }
0x8e: {  	[smem:$0x3FAC] =	sst s2  }
0x8f: {  	_ = 	snop  }
0x90: {  	s2 =	sld [smem:$0x3FD0];
	(tm) =	ssettm $0x1  }
0x91: {  	s18 =	sld [smem:$0x3FFB];
	_ =	sdelay $0x3  }
0x92: {  	_ =	strace s18  }
0x93: {  	s3 =	sld [smem:$0x3FFC];
	_ =	sdelay $0x3  }
0x94: {  	_ =	strace s3  }
0x95: {  	s3 =	sld [smem:$0x3FFD];
	_ =	sdelay $0x3  }
0x96: {  	_ =	strace s3  }
0x97: {  	_ =	strace $0x8FFFFFFF  }
0x98: {  	s19 =	sld [smem:$0x3FDB];
	_ =	sdelay $0x1  }
0x99: {  	s4 =	simm.s32 $_scs_section_size  }
0x9a: {  	s5 =	simm.s32 $_size__tile_overlayer_lowered;
	s6 =	simm.s32 $_tile_overlayer_lowered  }
0x9b: {  	s22 =	simm.s32 $0x1BFF;
	s21 =	sshll.u32 s6, $0x1;
	s3 =	sadd.s32 s4, s19  }
0x9c: {  	s7 =	simm.s32 $0x0;
	s20 =	sshll.u32 s5, $0x1;
	s5 =	sadd.s32 s21, s3  }
0x9d: {  	[timem:s7], [sflag:s22] =	dma.local [hbm:s5], s20  }
0x9e: {  	_ =	swait.ge [sflag:s22], s20  }
0x9f: {  	s4 =	ssub.s32 $0x0, s20;
	[sflag:s22] =	ssyncset.done $0x0  }
0xa0: {  	[sflag:s22] =	ssyncadd.s32 s4;
	_ =	sdelay $0x1  }
0xa1: {  	s23 =	simm.s32 $0x1B8B  }
0xa2: {  	_ =	swait.ge [sflag:s23], $0x1  }
0xa3: {  	[sflag:s23] =	ssyncset.done $0x0  }
0xa4: {  	s25 =	simm.s32 $0x1B8E;
	s24 =	sld [smem:$0x3FFE];
	[sflag:s23] =	ssyncadd.s32 $0xFFFFFFFF  }
0xa5: {  	s26 =	simm.s32 $execute0_lowered;
	[smem:$0x3FD2] =	sst s25  }
0xa6: {  	s5 =	sshll.u32 s26, $0x1;
	_ =	strace $0x8000004C;
	[dreg:$0x1] =	wrdreg $0xFFFFFFFF  }
0xa7: {  	s28 =	simm.s32 $_size_execute0_lowered;
	s3 =	sadd.s32 s3, s5;
	[dreg:$0x0] =	wrdreg $0x0  }
0xa8: {  	s5 =	sshll.u32 s28, $0x1;
	[dreg:$0x2] =	wrdreg s3  }
0xa9: {  	[dreg:$0x3] =	wrdreg s5  }
0xaa: {  	[dreg:$0x4] =	wrdreg $0xC0  }
0xab: {  	_ =	task [dreg:s7], $0x5FFFF  }
0xac: {  	[dreg:$0x1] =	wrdreg $0xFFFFFFFF  }
0xad: {  	[dreg:$0x0] =	wrdreg $0x60  }
0xae: {  	[dreg:$0x2] =	wrdreg s24  }
0xaf: {  	[dreg:$0x3] =	wrdreg s2  }
0xb0: {  	[dreg:$0x4] =	wrdreg $0xB8000  }
0xb1: {  	[dreg:$0x5] =	wrdreg $0x9  }
0xb2: {  	_ =	task.clear_ibuf [dreg:s7], $0x6FFFF;
	_ =	strace $0x9000004C  }
0xb3: {  	s29 =	simm.s32 $0x9;
	_ =	strace $0x8000004E  }
0xb4: {  	_ =	swait.ge [sflag:s29], $0x1  }
0xb5: {  	[sflag:s29] =	ssyncadd.s32 $0xFFFFFFFF  }
0xb6: {  	_ =	strace $0x9000004E  }
0xb7: {  	_ =	sfence  }
0xb8: {  	s30 =	sld [smem:$0x0];
	_ =	sdelay $0x2  }
0xb9: {  	s31 =	sshll.u32 s1, $0xD;
	s1 =	sshrl.u32 s1, $0x2  }
0xba: {  	s3 =	sand.u32 $0x4000, s31;
	s1 =	sadd.s32 s1, s30  }
0xbb: {  	s0 =	sor.u32 s3, s0;
	s1 =	sshll.u32 s1, $0x11  }
0xbc: {  	s0 =	sor.u32 s1, s0  }
0xbd: {  	s0 =	sadd.s32 $0x8F2B, s0  }
0xbe: {  	[sflag:s0] =	ssyncadd.remote.s32 $0x1  }
0xbf: {  	_ =	sfence.sel $0xFFFF  }
0xc0: {  	[dreg:$0x0] =	wrdreg $0xFFFFFFFF;
	(pc) =	sbr.abs _section_cstart, $3  }
0xc1: {  	[dreg:$0x1] =	wrdreg $0xFFFFFFFF  }
0xc2: {  	_ =	task.clear_ibuf [dreg:s7], $0x2FFFF;
	_ =	strace $0x9FFFFFFF  }
0xc3: {  	(tm) =	ssettm $0x7FFFFFFF  }
tec
execute0_lowered:
.L_overlay_start_1:
0x0: {  	(tag) =	ssettag $0x1  }
0x1: {  	s5 =	rddreg [dreg:$0x0]  }
0x2: {  	s7 =	rddreg [dreg:$0x1];
	s0 =	stileid.u32  }
0x3: {  	s2 =	rddreg [dreg:$0x2];
	s4 =	srdreg.scid  }
0x4: {  	s15 =	simm.s32 $0x2800;
	s16 =	simm.s32 $0x68;
	s17 =	simm.s32 $0x5000  }
0x5: {  	s18 =	simm.s32 $0x1;
	s19 =	simm.s32 $0x8400;
	s20 =	simm.s32 $0x2  }
0x6: {  	s21 =	simm.s32 $0x2868;
	s22 =	simm.s32 $0x3;
	s11 =	smul.u32 $0x14000, s0  }
0x7: {  	s28 =	simm.s32 $0x4F68;
	s29 =	simm.s32 $0x0;
	s24 =	smul.u32 $0x50000, s0  }
0x8: {  	s3 =	sshrl.u32 s0, $0x3;
	s8 =	sand.u32 $0x1, s4;
	s14 =	smul.u32 $0x2800, s0  }
0x9: {  	s23 =	sshll.u32 s0, $0x7;
	s4 =	sadd.s32 $0x9A00, s5;
	s6 =	smul.u32 $0x14000, s3  }
0xa: {  	s31 =	sshll.u32 s0, $0x6;
	s3 =	simm.s32 $0x0;
	s9 =	smul.u32 $0x140000, s8  }
0xb: {  	s10 =	sand.u32 $0x380, s23;
	s13 =	ssub.s32 $0x2, s8;
	s8 =	smul.u32 $0x28000, s8  }
0xc: {  	s23 =	simm.s32 $0xD0;
	[smem:$0x7FF] =	sst s3;
	s25 =	sshrl.u32 s13, $0x1  }
0xd: {  	_ =	strace $0x8000004D;
	s12 =	sor.u32 s10, s6;
	s9 =	sadd.s32 s11, s9  }
0xe: {  	s11 =	sshrl.u32 s24, $0x2;
	s6 =	sadd.s32 s8, s6;
	s13 =	ssub.s32 s13, s25  }
0xf: {  	s30 =	sadd.s32 s14, s8;
	s14 =	simm.s32 $0x400;
	s24 =	simm.s32 $0x4  }
0x10: {  	s25 =	simm.s32 $0x4F00;
	s12 =	sshrl.u32 s12, $0x3;
	s9 =	sshrl.u32 s9, $0x3  }
0x11: {  	s11 =	sadd.s32 s11, s2;
	s26 =	sor.u32 s10, s6;
	s6 =	sor.u32 $0x1C05, s31  }
0x12: {  	s12 =	sadd.s32 s12, s5;
	s9 =	sadd.s32 s9, s5;
	s10 =	sshrl.u32 s26, $0x3  }
0x13: {  	s5 =	sadd.s32 s4, s30;
	s11 =	sshrl.u32 s11, $0x3;
	s26 =	simm.s32 $0x2768  }
0x14: {  	s7 =	sadd.s32 s7, s10;
	s8 =	sadd.s32 $0x4A00, s12;
	s9 =	sadd.s32 $0x59A00, s9  }
0x15: {  	s10 =	smax.u32 s13, $0x1;
	s12 =	simm.s32 $0x5;
	s13 =	simm.s32 $0x80  }
.LBB2_1:
0x16: {  	[spmem:s11], [sflag:s6] =	dma.local [hbm:s5], $0x2800  }
0x17: {  	_ =	swait.ge [sflag:s12], $0x2800  }
0x18: {  	[sflag:s12] =	ssyncset.done $0x0  }
0x19: {  	[sflag:s12] =	ssyncadd.s32 $0xFFFFD800  }
0x1a: {  	[tilespmem:s3], [sflag:$0x5] =	stream.strided.gather [hbm4b:s7+s13], $0x2800, s14, s13, $0x38;
	[tilespmem:$0x1F800] =	vst v63  }
0x1b: {  	_ =	swait.ge [sflag:s12], $0x2800  }
0x1c: {  	[sflag:s12] =	ssyncset.done $0x0  }
0x1d: {  	[sflag:s12] =	ssyncadd.s32 $0xFFFFD800  }
0x1e: {  	[tilespmem:s15], [sflag:$0x5] =	stream.strided.gather [hbm4b:s8+s13], $0x2800, s14, s13, $0x38;
	[tilespmem:$0x1F800] =	vst v63  }
0x1f: {  	_ =	swait.ge [sflag:s12], $0x2800  }
0x20: {  	[sflag:s12] =	ssyncset.done $0x0  }
0x21: {  	[sflag:s12] =	ssyncadd.s32 $0xFFFFD800  }
0x22: {  	[bflag:$0x0] =	sbarrier.arrive $0xFFFF  }
0x23: {  	[tilespmem:s17], [sflag:$0x1] =	stream.indirect.gather [hbm4b:s4+s16], $0x80, s3, s16, $0xb8;
	[tilespmem:$0x1F800] =	vst v63  }
0x24: {  	_ =	swait.ge [sflag:s18], $0x3400  }
0x25: {  	[sflag:s18] =	ssyncset.done $0x0  }
0x26: {  	[sflag:s18] =	ssyncadd.s32 $0xFFFFCC00  }
0x27: {  	[spmem:s2] =	stream.indirect.scatter.add.f32 [tilespmem:s17], [sflag:$0x3], $0x80, s15, s16, $0xb8;
	[tilespmem:$0x1F800] =	vst v63  }
0x28: {  	_ = 	snop  }
0x29: {  	[tilespmem:s19], [sflag:$0x2] =	stream.indirect.gather [hbm4b:s4+s16], $0x80, s16, s16, $0xb8;
	[tilespmem:$0x1F800] =	vst v63  }
0x2a: {  	_ =	swait.ge [sflag:s20], $0x3400  }
0x2b: {  	[sflag:s20] =	ssyncset.done $0x0  }
0x2c: {  	[sflag:s20] =	ssyncadd.s32 $0xFFFFCC00  }
0x2d: {  	[spmem:s2] =	stream.indirect.scatter.add.f32 [tilespmem:s19], [sflag:$0x4], $0x80, s21, s16, $0xb8;
	[tilespmem:$0x1F800] =	vst v63  }
0x2e: {  	_ =	swait.ge [sflag:s22], $0x3400  }
0x2f: {  	[sflag:s22] =	ssyncset.done $0x0  }
0x30: {  	[sflag:s22] =	ssyncadd.s32 $0xFFFFCC00  }
0x31: {  	[tilespmem:s17], [sflag:$0x1] =	stream.indirect.gather [hbm4b:s4+s16], $0x80, s23, s16, $0xb8;
	[tilespmem:$0x1F800] =	vst v63  }
0x32: {  	_ =	swait.ge [sflag:s18], $0x3400  }
0x33: {  	[sflag:s18] =	ssyncset.done $0x0  }
0x34: {  	s30 =	simm.s32 $0x28D0;
	[sflag:s18] =	ssyncadd.s32 $0xFFFFCC00  }
0x35: {  	[spmem:s2] =	stream.indirect.scatter.add.f32 [tilespmem:s17], [sflag:$0x3], $0x80, s30, s16, $0xb8;
	[tilespmem:$0x1F800] =	vst v63  }
0x36: {  	_ =	swait.ge [sflag:s24], $0x3400  }
0x37: {  	[sflag:s24] =	ssyncset.done $0x0  }
0x38: {  	s30 =	simm.s32 $0x138;
	[sflag:s24] =	ssyncadd.s32 $0xFFFFCC00  }
0x39: {  	[tilespmem:s19], [sflag:$0x2] =	stream.indirect.gather [hbm4b:s4+s16], $0x80, s30, s16, $0xb8;
	[tilespmem:$0x1F800] =	vst v63  }
0x3a: {  	_ =	swait.ge [sflag:s20], $0x3400  }
0x3b: {  	[sflag:s20] =	ssyncset.done $0x0  }
0x3c: {  	s30 =	simm.s32 $0x2938;
	[sflag:s20] =	ssyncadd.s32 $0xFFFFCC00  }
0x3d: {  	[spmem:s2] =	stream.indirect.scatter.add.f32 [tilespmem:s19], [sflag:$0x4], $0x80, s30, s16, $0xb8;
	[tilespmem:$0x1F800] =	vst v63  }
0x3e: {  	_ =	swait.ge [sflag:s22], $0x3400  }
0x3f: {  	[sflag:s22] =	ssyncset.done $0x0  }
0x40: {  	s31 =	simm.s32 $0x1A0;
	s30 =	simm.s32 $0xFFFF6A80;
	[sflag:s22] =	ssyncadd.s32 $0xFFFFCC00  }
.LBB2_2:
0x41: {  	[tilespmem:s17], [sflag:$0x1] =	stream.indirect.gather [hbm4b:s4+s16], $0x80, s31, s16, $0xb8;
	[tilespmem:$0x1F800] =	vst v63  }
0x42: {  	s31 =	smov.u32 s30  }
0x43: {  	p0 =	sne.s32 s30, $0xFFFFFCC0;
	s30 =	sadd.s32 $0x340, s30;
	_ =	swait.ge [sflag:s18], $0x3400  }
0x44: {  	s31 =	sshra.s32 s31, $0x2;
	[sflag:s18] =	ssyncset.done $0x0  }
0x45: {  	s1 =	sadd.s32 $0x4F00, s31;
	[sflag:s18] =	ssyncadd.s32 $0xFFFFCC00  }
0x46: {  	[spmem:s2] =	stream.indirect.scatter.add.f32 [tilespmem:s17], [sflag:$0x3], $0x80, s1, s16, $0xb8;
	[tilespmem:$0x1F800] =	vst v63  }
0x47: {  	_ =	swait.ge [sflag:s24], $0x3400  }
0x48: {  	[sflag:s24] =	ssyncset.done $0x0  }
0x49: {  	s1 =	sadd.s32 $0x2768, s31;
	[sflag:s24] =	ssyncadd.s32 $0xFFFFCC00  }
0x4a: {  	[tilespmem:s19], [sflag:$0x2] =	stream.indirect.gather [hbm4b:s4+s16], $0x80, s1, s16, $0xb8;
	[tilespmem:$0x1F800] =	vst v63  }
0x4b: {  	_ =	swait.ge [sflag:s20], $0x3400  }
0x4c: {  	[sflag:s20] =	ssyncset.done $0x0  }
.Ltmp0:
0x4d: {  	s1 =	sadd.s32 $0x4F68, s31;
	[sflag:s20] =	ssyncadd.s32 $0xFFFFCC00;
	(pc) =	sbr.rel @p0 .LBB2_2-.Ltmp0, $4  }
0x4e: {  	[spmem:s2] =	stream.indirect.scatter.add.f32 [tilespmem:s19], [sflag:$0x4], $0x80, s1, s16, $0xb8;
	[tilespmem:$0x1F800] =	vst v63  }
0x4f: {  	_ =	swait.ge [sflag:s22], $0x3400  }
0x50: {  	[sflag:s22] =	ssyncset.done $0x0  }
0x51: {  	s31 =	sadd.s32 $0x27D0, s31;
	[sflag:s22] =	ssyncadd.s32 $0xFFFFCC00  }
0x52: {  	[tilespmem:s17], [sflag:$0x1] =	stream.indirect.gather [hbm4b:s4+s16], $0x80, s31, s16, $0xb8;
	[tilespmem:$0x1F800] =	vst v63  }
0x53: {  	_ =	swait.ge [sflag:s18], $0x3400  }
0x54: {  	[sflag:s18] =	ssyncset.done $0x0  }
0x55: {  	[sflag:s18] =	ssyncadd.s32 $0xFFFFCC00  }
0x56: {  	[spmem:s2] =	stream.indirect.scatter.add.f32 [tilespmem:s17], [sflag:$0x3], $0x80, s25, s16, $0xb8;
	[tilespmem:$0x1F800] =	vst v63  }
0x57: {  	_ =	swait.ge [sflag:s24], $0x3400  }
0x58: {  	[sflag:s24] =	ssyncset.done $0x0  }
0x59: {  	[sflag:s24] =	ssyncadd.s32 $0xFFFFCC00  }
0x5a: {  	[tilespmem:s19], [sflag:$0x2] =	stream.indirect.gather [hbm4b:s4+s16], $0x80, s26, s16, $0xb8;
	[tilespmem:$0x1F800] =	vst v63  }
0x5b: {  	_ =	swait.ge [sflag:s20], $0x3400  }
0x5c: {  	[sflag:s20] =	ssyncset.done $0x0  }
0x5d: {  	[sflag:s20] =	ssyncadd.s32 $0xFFFFCC00  }
0x5e: {  	[spmem:s2] =	stream.indirect.scatter.add.f32 [tilespmem:s19], [sflag:$0x4], $0x80, s28, s16, $0xb8;
	[tilespmem:$0x1F800] =	vst v63  }
0x5f: {  	_ =	swait.ge [sflag:s22], $0x3400  }
0x60: {  	[sflag:s22] =	ssyncset.done $0x0  }
0x61: {  	[sflag:s22] =	ssyncadd.s32 $0xFFFFCC00  }
0x62: {  	_ =	swait.ge [sflag:s24], $0x3400  }
0x63: {  	s29 =	sadd.s32 $0x1, s29;
	[sflag:s24] =	ssyncset.done $0x0  }
0x64: {  	p0 =	sne.s32 s29, s10;
	[sflag:s24] =	ssyncadd.s32 $0xFFFFCC00  }
.Ltmp1:
0x65: {  	[bflag:$0x0] =	sbarrier.arrive $0xFFFF;
	(pc) =	sbr.rel @p0 .LBB2_1-.Ltmp1, $4  }
0x66: {  	[hbm:s9], [sflag:s6] =	dma.local [spmem:s11], $0x2800  }
0x67: {  	_ =	swait.ge [sflag:s12], $0x2800  }
0x68: {  	[sflag:s12] =	ssyncset.done $0x0  }
0x69: {  	[sflag:s12] =	ssyncadd.s32 $0xFFFFD800  }
0x6a: {  	_ =	sfence.sel $0x180000  }
0x6b: {  	[bflag:$0x0] =	sbarrier.arrive $0xFFFF  }
0x6c: {  	_ =	strace $0x9000004D  }
0x6d: {  	[bflag:$0x2] =	sbarrier.arrive $0xFFFF  }
0x6e: {  	p0 =	sne.s32 s0, $0x0;
	s0 =	rddreg [dreg:$0x3]  }
0x6f: {  	s0 =	sadd.s32 @!p0 $0x100000, s0  }
0x70: {  	[sflag:s0] =	ssyncadd.tile.s32 @!p0 $0x1;
	_ =	shalt  }
.Lfunc_end2:
_tile_overlayer_lowered:
.L_overlay_start_2:
0x71: {  	(tag) =	ssettag $0x2  }
0x72: {  	s0 =	rddreg [dreg:$0x0];
	s2 =	stileid.u32  }
0x73: {  	s1 =	rddreg [dreg:$0x1];
	p0 =	sne.s32 s2, $0x0  }
0x74: {  	s3 =	rddreg [dreg:$0x2];
	[bflag:$0x3] =	sbarrier.arrive $0xFFFF;
	s2 =	simm.s32 @!p0 $0x1C05  }
0x75: {  	[timem:s3], [sflag:s2] =	dma.local @!p0 [hbm:s0], s1  }
0x76: {  	s0 =	simm.s32 @!p0 $0x5  }
0x77: {  	_ =	swait.ge @!p0 [sflag:s0], s1  }
0x78: {  	s1 =	ssub.s32 @!p0 $0x0, s1;
	[sflag:s0] =	ssyncset.done @!p0 $0x0  }
0x79: {  	[sflag:s0] =	ssyncadd.s32 @!p0 s1  }
0x7a: {  	[bflag:$0x3] =	sbarrier.arrive $0xFFFF  }
0x7b: {  	_ =	shalt  }

// kernel: kernel.8.cloned.1.call-start
scs
__scs_entry_jumppad:
0x0: {  	(pc) =	sbr.rel $0x88, $3  }
0x1: {  	(tag) =	ssettag $0x0;
	lr =	simm.s32 $0x1  }
0x2: {  	[smem:$0x3F85] =	sst lr;
	_ =	strace $0xD0000000  }
0x3: {  	_ = 	snop  }
0x4: {  	_ = 	snop  }
0x5: {  	_ = 	snop  }
0x6: {  	_ = 	snop  }
0x7: {  	_ = 	snop  }
__scs_overlays_trampoline_lowered:
0x8: {  	[smem:$0x3F94] =	sst s0  }
0x9: {  	[smem:$0x3F95] =	sst s1  }
0xa: {  	[smem:$0x3F96] =	sst s2  }
0xb: {  	[smem:$0x3F97] =	sst s3  }
0xc: {  	[smem:$0x3F98] =	sst s4  }
0xd: {  	[smem:$0x3F99] =	sst s5  }
0xe: {  	[smem:$0x3F9A] =	sst s6  }
0xf: {  	[smem:$0x3F9B] =	sst s7  }
0x10: {  	[smem:$0x3F9C] =	sst s8  }
0x11: {  	[smem:$0x3F9D] =	sst s9;
	s0 =	simm.s32 @!p0 $0x0  }
0x12: {  	s1 =	sld [smem:$0x3F83];
	s0 =	simm.s32 @p0 $0x1  }
0x13: {  	[smem:$0x3F9E] =	sst s0;
	s0 =	simm.s32 @!p1 $0x0  }
0x14: {  	s2 =	sld [smem:$0x3F82];
	s0 =	simm.s32 @p1 $0x1  }
0x15: {  	[smem:$0x3F9F] =	sst s0;
	s0 =	simm.s32 @!p2 $0x0  }
0x16: {  	s3 =	sld [smem:$0x3FDB];
	s0 =	simm.s32 @p2 $0x1  }
0x17: {  	s4 =	simm.s32 $0x1BF5;
	[smem:$0x3FA1] =	sst s0  }
0x18: {  	s0 =	sld [smem:$0x3F84];
	_ =	swait.ge [sflag:s4], $0x0  }
0x19: {  	s7 =	sld [smem:$0x3F85]  }
0x1a: {  	s8 =	sadd.s32 $0xFFFFE003, lr  }
0x1b: {  	s9 =	sadd.s32 $0xFFFFFEF7, lr;
	s5 =	simm.s32 $0xFFFFFFFF;
	p2 =	slt.u32 s8, $0xFFFFF086  }
0x1c: {  	p1 =	slt.u32 s9, $0xF7A;
	s5 =	simm.s32 @!p2 $0x0  }
0x1d: {  	s5 =	simm.s32 @p1 $0x1;
	p0 =	seq.s32 s7, s2  }
0x1e: {  	s7 =	smul.u32 @!p0 $0xF7A, s2;
	p2 =	seq.s32 @!p0 s5, $0x0  }
0x1f: {  	s9 =	smul.u32 $0xF7A, s1;
	s8 =	simm.s32 @!p0 $0x1BF5;
	p2 =	por !p2, p0  }
0x20: {  	[sflag:s8] =	ssyncset.s32 @!p0 $0xFFFFF086;
	s6 =	sadd.s32 @!p0 s3, s7;
	s7 =	simm.s32 @!p0 $0x108  }
0x21: {  	s3 =	sadd.s32 s3, s9;
	s6 =	sadd.s32 @!p0 $0x88, s6;
	s7 =	simm.s32 @p2 $0x1082  }
0x22: {  	[simem:s7], [sflag:s8] =	dma.local @!p0 [hbm:s6], $0xF7A  }
0x23: {  	s9 =	sor.u32 $0xD0000000, s2;
	s6 =	simm.s32 $0x108;
	_ =	swait.ge @!p0 [sflag:s8], $0x0  }
0x24: {  	s3 =	sadd.s32 $0x88, s3;
	s6 =	simm.s32 @!p1 $0x1082;
	[sflag:s4] =	ssyncset.s32 $0xFFFFF086  }
0x25: {  	[simem:s6], [sflag:s4] =	dma.local [hbm:s3], $0xF7A  }
0x26: {  	[smem:$0x3F85] =	sst s1;
	(tag) =	ssettag s2;
	_ =	strace s9  }
0x27: {  	s1 =	sld [smem:$0x3F95]  }
0x28: {  	s2 =	sld [smem:$0x3F96]  }
0x29: {  	s4 =	sld [smem:$0x3F98]  }
0x2a: {  	p0 =	seq.s32 s5, $0x0;
	s5 =	sld [smem:$0x3F99]  }
0x2b: {  	s6 =	sld [smem:$0x3F9A]  }
0x2c: {  	s7 =	sld [smem:$0x3F9B]  }
0x2d: {  	s3 =	simm.s32 $0x108;
	s8 =	sld [smem:$0x3F9C]  }
0x2e: {  	s3 =	simm.s32 @!p0 $0x1082;
	s9 =	sld [smem:$0x3F9D]  }
0x2f: {  	lr =	sadd.s32 s0, s3;
	s0 =	sld [smem:$0x3F94]  }
0x30: {  	s3 =	sld [smem:$0x3F97]  }
0x31: {  	[smem:$0x3FA0] =	sst s10  }
0x32: {  	s10 =	sld [smem:$0x3F9E];
	_ =	sdelay $0x3  }
0x33: {  	p0 =	seq.s32 s10, $0x1;
	s10 =	sld [smem:$0x3FA0];
	_ =	sdelay $0x3  }
0x34: {  	[smem:$0x3FA0] =	sst s10  }
0x35: {  	s10 =	sld [smem:$0x3F9F];
	_ =	sdelay $0x3  }
0x36: {  	p1 =	seq.s32 s10, $0x1;
	s10 =	sld [smem:$0x3FA0];
	_ =	sdelay $0x3  }
0x37: {  	[smem:$0x3FA0] =	sst s10  }
0x38: {  	s10 =	sld [smem:$0x3FA1]  }
0x39: {  	_ = 	snop;
	(pc) =	sbr.ind lr, $3  }
0x3a: {  	_ = 	snop  }
0x3b: {  	_ = 	snop  }
0x3c: {  	p2 =	seq.s32 s10, $0x1;
	s10 =	sld [smem:$0x3FA0]  }
0x3d: {  	_ =	shalt  }
0x3e: {  	_ =	shalt  }
0x3f: {  	_ =	shalt  }
0x40: {  	_ =	shalt  }
0x41: {  	_ =	shalt  }
0x42: {  	_ =	shalt  }
0x43: {  	_ =	shalt  }
0x44: {  	_ =	shalt  }
0x45: {  	_ =	shalt  }
0x46: {  	_ =	shalt  }
0x47: {  	_ =	shalt  }
0x48: {  	_ =	shalt  }
0x49: {  	_ =	shalt  }
0x4a: {  	_ =	shalt  }
0x4b: {  	_ =	shalt  }
0x4c: {  	_ =	shalt  }
0x4d: {  	_ =	shalt  }
0x4e: {  	_ =	shalt  }
0x4f: {  	_ =	shalt  }
0x50: {  	_ =	shalt  }
0x51: {  	_ =	shalt  }
0x52: {  	_ =	shalt  }
0x53: {  	_ =	shalt  }
0x54: {  	_ =	shalt  }
0x55: {  	_ =	shalt  }
0x56: {  	_ =	shalt  }
0x57: {  	_ =	shalt  }
0x58: {  	_ =	shalt  }
0x59: {  	_ =	shalt  }
0x5a: {  	_ =	shalt  }
0x5b: {  	_ =	shalt  }
0x5c: {  	_ =	shalt  }
0x5d: {  	_ =	shalt  }
0x5e: {  	_ =	shalt  }
0x5f: {  	_ =	shalt  }
0x60: {  	_ =	shalt  }
0x61: {  	_ =	shalt  }
0x62: {  	_ =	shalt  }
0x63: {  	_ =	shalt  }
0x64: {  	_ =	shalt  }
0x65: {  	_ =	shalt  }
0x66: {  	_ =	shalt  }
0x67: {  	_ =	shalt  }
0x68: {  	_ =	shalt  }
0x69: {  	_ =	shalt  }
0x6a: {  	_ =	shalt  }
0x6b: {  	_ =	shalt  }
0x6c: {  	_ =	shalt  }
0x6d: {  	_ =	shalt  }
0x6e: {  	_ =	shalt  }
0x6f: {  	_ =	shalt  }
0x70: {  	_ =	shalt  }
0x71: {  	_ =	shalt  }
0x72: {  	_ =	shalt  }
0x73: {  	_ =	shalt  }
0x74: {  	_ =	shalt  }
0x75: {  	_ =	shalt  }
0x76: {  	_ =	shalt  }
0x77: {  	_ =	shalt  }
0x78: {  	_ =	shalt  }
0x79: {  	_ =	shalt  }
0x7a: {  	_ =	shalt  }
0x7b: {  	_ =	shalt  }
0x7c: {  	_ =	shalt  }
0x7d: {  	_ =	shalt  }
0x7e: {  	_ =	shalt  }
0x7f: {  	_ =	shalt  }
0x80: {  	_ =	shalt  }
0x81: {  	_ =	shalt  }
0x82: {  	_ =	shalt  }
0x83: {  	_ =	shalt  }
0x84: {  	_ =	shalt  }
0x85: {  	_ =	shalt  }
0x86: {  	_ =	shalt  }
0x87: {  	_ =	shalt  }
.Lfunc_end0:
.L_simem_size_0:
called_computation_lowered:
.L_overlay_start_0:
0x88: {  	s2 =	sld [smem:$0x3FD9]  }
0x89: {  	s3 =	sld [smem:$0x3FFE];
	_ =	sdelay $0x1  }
0x8a: {  	s1 =	srdreg.scid  }
0x8b: {  	s0 =	sand.u32 $0x1, s1  }
0x8c: {  	s17 =	sshll.u32 s0, $0xA;
	s2 =	sadd.s32 s3, s2  }
0x8d: {  	s2 =	sadd.s32 s2, s17  }
0x8e: {  	[smem:$0x3FAC] =	sst s2  }
0x8f: {  	_ = 	snop  }
0x90: {  	s2 =	sld [smem:$0x3FD0];
	(tm) =	ssettm $0x1  }
0x91: {  	s18 =	sld [smem:$0x3FFB];
	_ =	sdelay $0x3  }
0x92: {  	_ =	strace s18  }
0x93: {  	s3 =	sld [smem:$0x3FFC];
	_ =	sdelay $0x3  }
0x94: {  	_ =	strace s3  }
0x95: {  	s3 =	sld [smem:$0x3FFD];
	_ =	sdelay $0x3  }
0x96: {  	_ =	strace s3  }
0x97: {  	_ =	strace $0x8FFFFFFF  }
0x98: {  	s19 =	sld [smem:$0x3FDB];
	_ =	sdelay $0x1  }
0x99: {  	s4 =	simm.s32 $_scs_section_size  }
0x9a: {  	s5 =	simm.s32 $_size__tile_overlayer_lowered;
	s6 =	simm.s32 $_tile_overlayer_lowered  }
0x9b: {  	s22 =	simm.s32 $0x1BFF;
	s21 =	sshll.u32 s6, $0x1;
	s3 =	sadd.s32 s4, s19  }
0x9c: {  	s7 =	simm.s32 $0x0;
	s20 =	sshll.u32 s5, $0x1;
	s5 =	sadd.s32 s21, s3  }
0x9d: {  	[timem:s7], [sflag:s22] =	dma.local [hbm:s5], s20  }
0x9e: {  	_ =	swait.ge [sflag:s22], s20  }
0x9f: {  	s4 =	ssub.s32 $0x0, s20;
	[sflag:s22] =	ssyncset.done $0x0  }
0xa0: {  	[sflag:s22] =	ssyncadd.s32 s4;
	_ =	sdelay $0x1  }
0xa1: {  	s23 =	simm.s32 $0x1B8B  }
0xa2: {  	_ =	swait.ge [sflag:s23], $0x1  }
0xa3: {  	[sflag:s23] =	ssyncset.done $0x0  }
0xa4: {  	s25 =	simm.s32 $0x1B8E;
	s24 =	sld [smem:$0x3FFE];
	[sflag:s23] =	ssyncadd.s32 $0xFFFFFFFF  }
0xa5: {  	s26 =	simm.s32 $execute0_lowered;
	[smem:$0x3FD2] =	sst s25  }
0xa6: {  	s5 =	sshll.u32 s26, $0x1;
	_ =	strace $0x80000046;
	[dreg:$0x1] =	wrdreg $0xFFFFFFFF  }
0xa7: {  	s28 =	simm.s32 $_size_execute0_lowered;
	s3 =	sadd.s32 s3, s5;
	[dreg:$0x0] =	wrdreg $0x0  }
0xa8: {  	s5 =	sshll.u32 s28, $0x1;
	[dreg:$0x2] =	wrdreg s3  }
0xa9: {  	[dreg:$0x3] =	wrdreg s5  }
0xaa: {  	[dreg:$0x4] =	wrdreg $0xC0  }
0xab: {  	_ =	task [dreg:s7], $0x5FFFF  }
0xac: {  	[dreg:$0x1] =	wrdreg $0xFFFFFFFF  }
0xad: {  	[dreg:$0x0] =	wrdreg $0x60  }
0xae: {  	[dreg:$0x2] =	wrdreg s24  }
0xaf: {  	[dreg:$0x3] =	wrdreg s2  }
0xb0: {  	[dreg:$0x4] =	wrdreg $0xB8000  }
0xb1: {  	[dreg:$0x5] =	wrdreg $0x9  }
0xb2: {  	_ =	task.clear_ibuf [dreg:s7], $0x6FFFF;
	_ =	strace $0x90000046  }
0xb3: {  	s29 =	simm.s32 $0x9;
	_ =	strace $0x80000048  }
0xb4: {  	_ =	swait.ge [sflag:s29], $0x1  }
0xb5: {  	[sflag:s29] =	ssyncadd.s32 $0xFFFFFFFF  }
0xb6: {  	_ =	strace $0x90000048  }
0xb7: {  	_ =	sfence  }
0xb8: {  	s30 =	sld [smem:$0x0];
	_ =	sdelay $0x2  }
0xb9: {  	s31 =	sshll.u32 s1, $0xD;
	s1 =	sshrl.u32 s1, $0x2  }
0xba: {  	s3 =	sand.u32 $0x4000, s31;
	s1 =	sadd.s32 s1, s30  }
0xbb: {  	s0 =	sor.u32 s3, s0;
	s1 =	sshll.u32 s1, $0x11  }
0xbc: {  	s0 =	sor.u32 s1, s0  }
0xbd: {  	s0 =	sadd.s32 $0x8F2B, s0  }
0xbe: {  	[sflag:s0] =	ssyncadd.remote.s32 $0x1  }
0xbf: {  	_ =	sfence.sel $0xFFFF  }
0xc0: {  	[dreg:$0x0] =	wrdreg $0xFFFFFFFF;
	(pc) =	sbr.abs _section_cstart, $3  }
0xc1: {  	[dreg:$0x1] =	wrdreg $0xFFFFFFFF  }
0xc2: {  	_ =	task.clear_ibuf [dreg:s7], $0x2FFFF;
	_ =	strace $0x9FFFFFFF  }
0xc3: {  	(tm) =	ssettm $0x7FFFFFFF  }
tec
execute0_lowered:
.L_overlay_start_1:
0x0: {  	(tag) =	ssettag $0x1  }
0x1: {  	s5 =	rddreg [dreg:$0x0]  }
0x2: {  	s7 =	rddreg [dreg:$0x1];
	s0 =	stileid.u32  }
0x3: {  	s2 =	rddreg [dreg:$0x2];
	s4 =	srdreg.scid  }
0x4: {  	s15 =	simm.s32 $0x2800;
	s16 =	simm.s32 $0x68;
	s17 =	simm.s32 $0x5000  }
0x5: {  	s18 =	simm.s32 $0x1;
	s19 =	simm.s32 $0x8400;
	s20 =	simm.s32 $0x2  }
0x6: {  	s21 =	simm.s32 $0x2868;
	s22 =	simm.s32 $0x3;
	s11 =	smul.u32 $0x14000, s0  }
0x7: {  	s28 =	simm.s32 $0x4F68;
	s29 =	simm.s32 $0x0;
	s24 =	smul.u32 $0x50000, s0  }
0x8: {  	s3 =	sshrl.u32 s0, $0x3;
	s8 =	sand.u32 $0x1, s4;
	s14 =	smul.u32 $0x2800, s0  }
0x9: {  	s23 =	sshll.u32 s0, $0x7;
	s4 =	sadd.s32 $0x9A00, s5;
	s6 =	smul.u32 $0x14000, s3  }
0xa: {  	s31 =	sshll.u32 s0, $0x6;
	s3 =	simm.s32 $0x0;
	s9 =	smul.u32 $0x140000, s8  }
0xb: {  	s10 =	sand.u32 $0x380, s23;
	s13 =	ssub.s32 $0x2, s8;
	s8 =	smul.u32 $0x28000, s8  }
0xc: {  	s23 =	simm.s32 $0xD0;
	[smem:$0x7FF] =	sst s3;
	s25 =	sshrl.u32 s13, $0x1  }
0xd: {  	_ =	strace $0x80000047;
	s12 =	sor.u32 s10, s6;
	s9 =	sadd.s32 s11, s9  }
0xe: {  	s11 =	sshrl.u32 s24, $0x2;
	s6 =	sadd.s32 s8, s6;
	s13 =	ssub.s32 s13, s25  }
0xf: {  	s30 =	sadd.s32 s14, s8;
	s14 =	simm.s32 $0x400;
	s24 =	simm.s32 $0x4  }
0x10: {  	s25 =	simm.s32 $0x4F00;
	s12 =	sshrl.u32 s12, $0x3;
	s9 =	sshrl.u32 s9, $0x3  }
0x11: {  	s11 =	sadd.s32 s11, s2;
	s26 =	sor.u32 s10, s6;
	s6 =	sor.u32 $0x1C05, s31  }
0x12: {  	s12 =	sadd.s32 s12, s5;
	s9 =	sadd.s32 s9, s5;
	s10 =	sshrl.u32 s26, $0x3  }
0x13: {  	s5 =	sadd.s32 s4, s30;
	s11 =	sshrl.u32 s11, $0x3;
	s26 =	simm.s32 $0x2768  }
0x14: {  	s7 =	sadd.s32 s7, s10;
	s8 =	sadd.s32 $0x4A00, s12;
	s9 =	sadd.s32 $0x59A00, s9  }
0x15: {  	s10 =	smax.u32 s13, $0x1;
	s12 =	simm.s32 $0x5;
	s13 =	simm.s32 $0x80  }
.LBB2_1:
0x16: {  	[spmem:s11], [sflag:s6] =	dma.local [hbm:s5], $0x2800  }
0x17: {  	_ =	swait.ge [sflag:s12], $0x2800  }
0x18: {  	[sflag:s12] =	ssyncset.done $0x0  }
0x19: {  	[sflag:s12] =	ssyncadd.s32 $0xFFFFD800  }
0x1a: {  	[tilespmem:s3], [sflag:$0x5] =	stream.strided.gather [hbm4b:s7+s13], $0x2800, s14, s13, $0x38;
	[tilespmem:$0x1F800] =	vst v63  }
0x1b: {  	_ =	swait.ge [sflag:s12], $0x2800  }
0x1c: {  	[sflag:s12] =	ssyncset.done $0x0  }
0x1d: {  	[sflag:s12] =	ssyncadd.s32 $0xFFFFD800  }
0x1e: {  	[tilespmem:s15], [sflag:$0x5] =	stream.strided.gather [hbm4b:s8+s13], $0x2800, s14, s13, $0x38;
	[tilespmem:$0x1F800] =	vst v63  }
0x1f: {  	_ =	swait.ge [sflag:s12], $0x2800  }
0x20: {  	[sflag:s12] =	ssyncset.done $0x0  }
0x21: {  	[sflag:s12] =	ssyncadd.s32 $0xFFFFD800  }
0x22: {  	[bflag:$0x0] =	sbarrier.arrive $0xFFFF  }
0x23: {  	[tilespmem:s17], [sflag:$0x1] =	stream.indirect.gather [hbm4b:s4+s16], $0x80, s3, s16, $0xb8;
	[tilespmem:$0x1F800] =	vst v63  }
0x24: {  	_ =	swait.ge [sflag:s18], $0x3400  }
0x25: {  	[sflag:s18] =	ssyncset.done $0x0  }
0x26: {  	[sflag:s18] =	ssyncadd.s32 $0xFFFFCC00  }
0x27: {  	[spmem:s2] =	stream.indirect.scatter.add.f32 [tilespmem:s17], [sflag:$0x3], $0x80, s15, s16, $0xb8;
	[tilespmem:$0x1F800] =	vst v63  }
0x28: {  	_ = 	snop  }
0x29: {  	[tilespmem:s19], [sflag:$0x2] =	stream.indirect.gather [hbm4b:s4+s16], $0x80, s16, s16, $0xb8;
	[tilespmem:$0x1F800] =	vst v63  }
0x2a: {  	_ =	swait.ge [sflag:s20], $0x3400  }
0x2b: {  	[sflag:s20] =	ssyncset.done $0x0  }
0x2c: {  	[sflag:s20] =	ssyncadd.s32 $0xFFFFCC00  }
0x2d: {  	[spmem:s2] =	stream.indirect.scatter.add.f32 [tilespmem:s19], [sflag:$0x4], $0x80, s21, s16, $0xb8;
	[tilespmem:$0x1F800] =	vst v63  }
0x2e: {  	_ =	swait.ge [sflag:s22], $0x3400  }
0x2f: {  	[sflag:s22] =	ssyncset.done $0x0  }
0x30: {  	[sflag:s22] =	ssyncadd.s32 $0xFFFFCC00  }
0x31: {  	[tilespmem:s17], [sflag:$0x1] =	stream.indirect.gather [hbm4b:s4+s16], $0x80, s23, s16, $0xb8;
	[tilespmem:$0x1F800] =	vst v63  }
0x32: {  	_ =	swait.ge [sflag:s18], $0x3400  }
0x33: {  	[sflag:s18] =	ssyncset.done $0x0  }
0x34: {  	s30 =	simm.s32 $0x28D0;
	[sflag:s18] =	ssyncadd.s32 $0xFFFFCC00  }
0x35: {  	[spmem:s2] =	stream.indirect.scatter.add.f32 [tilespmem:s17], [sflag:$0x3], $0x80, s30, s16, $0xb8;
	[tilespmem:$0x1F800] =	vst v63  }
0x36: {  	_ =	swait.ge [sflag:s24], $0x3400  }
0x37: {  	[sflag:s24] =	ssyncset.done $0x0  }
0x38: {  	s30 =	simm.s32 $0x138;
	[sflag:s24] =	ssyncadd.s32 $0xFFFFCC00  }
0x39: {  	[tilespmem:s19], [sflag:$0x2] =	stream.indirect.gather [hbm4b:s4+s16], $0x80, s30, s16, $0xb8;
	[tilespmem:$0x1F800] =	vst v63  }
0x3a: {  	_ =	swait.ge [sflag:s20], $0x3400  }
0x3b: {  	[sflag:s20] =	ssyncset.done $0x0  }
0x3c: {  	s30 =	simm.s32 $0x2938;
	[sflag:s20] =	ssyncadd.s32 $0xFFFFCC00  }
0x3d: {  	[spmem:s2] =	stream.indirect.scatter.add.f32 [tilespmem:s19], [sflag:$0x4], $0x80, s30, s16, $0xb8;
	[tilespmem:$0x1F800] =	vst v63  }
0x3e: {  	_ =	swait.ge [sflag:s22], $0x3400  }
0x3f: {  	[sflag:s22] =	ssyncset.done $0x0  }
0x40: {  	s31 =	simm.s32 $0x1A0;
	s30 =	simm.s32 $0xFFFF6A80;
	[sflag:s22] =	ssyncadd.s32 $0xFFFFCC00  }
.LBB2_2:
0x41: {  	[tilespmem:s17], [sflag:$0x1] =	stream.indirect.gather [hbm4b:s4+s16], $0x80, s31, s16, $0xb8;
	[tilespmem:$0x1F800] =	vst v63  }
0x42: {  	s31 =	smov.u32 s30  }
0x43: {  	p0 =	sne.s32 s30, $0xFFFFFCC0;
	s30 =	sadd.s32 $0x340, s30;
	_ =	swait.ge [sflag:s18], $0x3400  }
0x44: {  	s31 =	sshra.s32 s31, $0x2;
	[sflag:s18] =	ssyncset.done $0x0  }
0x45: {  	s1 =	sadd.s32 $0x4F00, s31;
	[sflag:s18] =	ssyncadd.s32 $0xFFFFCC00  }
0x46: {  	[spmem:s2] =	stream.indirect.scatter.add.f32 [tilespmem:s17], [sflag:$0x3], $0x80, s1, s16, $0xb8;
	[tilespmem:$0x1F800] =	vst v63  }
0x47: {  	_ =	swait.ge [sflag:s24], $0x3400  }
0x48: {  	[sflag:s24] =	ssyncset.done $0x0  }
0x49: {  	s1 =	sadd.s32 $0x2768, s31;
	[sflag:s24] =	ssyncadd.s32 $0xFFFFCC00  }
0x4a: {  	[tilespmem:s19], [sflag:$0x2] =	stream.indirect.gather [hbm4b:s4+s16], $0x80, s1, s16, $0xb8;
	[tilespmem:$0x1F800] =	vst v63  }
0x4b: {  	_ =	swait.ge [sflag:s20], $0x3400  }
0x4c: {  	[sflag:s20] =	ssyncset.done $0x0  }
.Ltmp0:
0x4d: {  	s1 =	sadd.s32 $0x4F68, s31;
	[sflag:s20] =	ssyncadd.s32 $0xFFFFCC00;
	(pc) =	sbr.rel @p0 .LBB2_2-.Ltmp0, $4  }
0x4e: {  	[spmem:s2] =	stream.indirect.scatter.add.f32 [tilespmem:s19], [sflag:$0x4], $0x80, s1, s16, $0xb8;
	[tilespmem:$0x1F800] =	vst v63  }
0x4f: {  	_ =	swait.ge [sflag:s22], $0x3400  }
0x50: {  	[sflag:s22] =	ssyncset.done $0x0  }
0x51: {  	s31 =	sadd.s32 $0x27D0, s31;
	[sflag:s22] =	ssyncadd.s32 $0xFFFFCC00  }
0x52: {  	[tilespmem:s17], [sflag:$0x1] =	stream.indirect.gather [hbm4b:s4+s16], $0x80, s31, s16, $0xb8;
	[tilespmem:$0x1F800] =	vst v63  }
0x53: {  	_ =	swait.ge [sflag:s18], $0x3400  }
0x54: {  	[sflag:s18] =	ssyncset.done $0x0  }
0x55: {  	[sflag:s18] =	ssyncadd.s32 $0xFFFFCC00  }
0x56: {  	[spmem:s2] =	stream.indirect.scatter.add.f32 [tilespmem:s17], [sflag:$0x3], $0x80, s25, s16, $0xb8;
	[tilespmem:$0x1F800] =	vst v63  }
0x57: {  	_ =	swait.ge [sflag:s24], $0x3400  }
0x58: {  	[sflag:s24] =	ssyncset.done $0x0  }
0x59: {  	[sflag:s24] =	ssyncadd.s32 $0xFFFFCC00  }
0x5a: {  	[tilespmem:s19], [sflag:$0x2] =	stream.indirect.gather [hbm4b:s4+s16], $0x80, s26, s16, $0xb8;
	[tilespmem:$0x1F800] =	vst v63  }
0x5b: {  	_ =	swait.ge [sflag:s20], $0x3400  }
0x5c: {  	[sflag:s20] =	ssyncset.done $0x0  }
0x5d: {  	[sflag:s20] =	ssyncadd.s32 $0xFFFFCC00  }
0x5e: {  	[spmem:s2] =	stream.indirect.scatter.add.f32 [tilespmem:s19], [sflag:$0x4], $0x80, s28, s16, $0xb8;
	[tilespmem:$0x1F800] =	vst v63  }
0x5f: {  	_ =	swait.ge [sflag:s22], $0x3400  }
0x60: {  	[sflag:s22] =	ssyncset.done $0x0  }
0x61: {  	[sflag:s22] =	ssyncadd.s32 $0xFFFFCC00  }
0x62: {  	_ =	swait.ge [sflag:s24], $0x3400  }
0x63: {  	s29 =	sadd.s32 $0x1, s29;
	[sflag:s24] =	ssyncset.done $0x0  }
0x64: {  	p0 =	sne.s32 s29, s10;
	[sflag:s24] =	ssyncadd.s32 $0xFFFFCC00  }
.Ltmp1:
0x65: {  	[bflag:$0x0] =	sbarrier.arrive $0xFFFF;
	(pc) =	sbr.rel @p0 .LBB2_1-.Ltmp1, $4  }
0x66: {  	[hbm:s9], [sflag:s6] =	dma.local [spmem:s11], $0x2800  }
0x67: {  	_ =	swait.ge [sflag:s12], $0x2800  }
0x68: {  	[sflag:s12] =	ssyncset.done $0x0  }
0x69: {  	[sflag:s12] =	ssyncadd.s32 $0xFFFFD800  }
0x6a: {  	_ =	sfence.sel $0x180000  }
0x6b: {  	[bflag:$0x0] =	sbarrier.arrive $0xFFFF  }
0x6c: {  	_ =	strace $0x90000047  }
0x6d: {  	[bflag:$0x2] =	sbarrier.arrive $0xFFFF  }
0x6e: {  	p0 =	sne.s32 s0, $0x0;
	s0 =	rddreg [dreg:$0x3]  }
0x6f: {  	s0 =	sadd.s32 @!p0 $0x100000, s0  }
0x70: {  	[sflag:s0] =	ssyncadd.tile.s32 @!p0 $0x1;
	_ =	shalt  }
.Lfunc_end2:
_tile_overlayer_lowered:
.L_overlay_start_2:
0x71: {  	(tag) =	ssettag $0x2  }
0x72: {  	s0 =	rddreg [dreg:$0x0];
	s2 =	stileid.u32  }
0x73: {  	s1 =	rddreg [dreg:$0x1];
	p0 =	sne.s32 s2, $0x0  }
0x74: {  	s3 =	rddreg [dreg:$0x2];
	[bflag:$0x3] =	sbarrier.arrive $0xFFFF;
	s2 =	simm.s32 @!p0 $0x1C05  }
0x75: {  	[timem:s3], [sflag:s2] =	dma.local @!p0 [hbm:s0], s1  }
0x76: {  	s0 =	simm.s32 @!p0 $0x5  }
0x77: {  	_ =	swait.ge @!p0 [sflag:s0], s1  }
0x78: {  	s1 =	ssub.s32 @!p0 $0x0, s1;
	[sflag:s0] =	ssyncset.done @!p0 $0x0  }
0x79: {  	[sflag:s0] =	ssyncadd.s32 @!p0 s1  }
0x7a: {  	[bflag:$0x3] =	sbarrier.arrive $0xFFFF  }
0x7b: {  	_ =	shalt  }

</sc_bundles>
